<compile_context>
chip_gen: v7x
topology: tpu7x:2x2x1
jax: 0.10.2.dev20260603
libtpu: 0.0.44.dev20260713+nightly
codegen_flags: <defaults>
</compile_context>

<pallas_src>
import functools

import jax
import jax.numpy as jnp
from jax import lax
from jax.experimental import pallas as pl
from jax.experimental.pallas import tpu as pltpu
from jax.experimental.pallas import tpu_sc as plsc

_VOCAB = 100000
_DM = 1024
_N_BYTES = 16
_BYTE_VOCAB = 256

_NW = 32
_CHUNK = 32


def _sc_token_gather(ids_flat, token_table):
    n = ids_flat.shape[0]
    bpw = n // _NW
    nch = bpw // _CHUNK
    mesh = plsc.VectorSubcoreMesh(core_axis_name="c", subcore_axis_name="s")

    @functools.partial(
        pl.kernel,
        out_type=jax.ShapeDtypeStruct((n, _DM), jnp.float32),
        mesh=mesh,
        scratch_types=[
            pltpu.VMEM((bpw,), jnp.int32),
            pltpu.VMEM((_CHUNK, _DM), jnp.float32),
            pltpu.VMEM((_CHUNK, _DM), jnp.float32),
            pltpu.VMEM((_CHUNK, _DM), jnp.float32),
            pltpu.SemaphoreType.DMA,
            pltpu.SemaphoreType.DMA,
            pltpu.SemaphoreType.DMA,
            pltpu.SemaphoreType.DMA,
            pltpu.SemaphoreType.DMA,
            pltpu.SemaphoreType.DMA,
        ],
    )
    def k(ids_hbm, table_hbm, out_hbm, idx_v,
          rows0, rows1, rows2, gs0, gs1, gs2, ws0, ws1, ws2):
        cid = lax.axis_index("c")
        sid = lax.axis_index("s")
        wid = sid * 2 + cid
        base = wid * bpw
        pltpu.sync_copy(ids_hbm.at[pl.ds(base, bpw)], idx_v)
        rows = (rows0, rows1, rows2)
        gs = (gs0, gs1, gs2)
        ws = (ws0, ws1, ws2)

        def start_g(i):
            return pltpu.async_copy(
                table_hbm.at[idx_v.at[pl.ds(i * _CHUNK, _CHUNK)]],
                rows[i % 3],
                gs[i % 3],
            )

        gh = {0: start_g(0)}
        if nch > 1:
            gh[1] = start_g(1)
        wh = {}
        for i in range(nch):
            if i + 2 < nch:
                if i - 1 >= 0:
                    wh[i - 1].wait()
                gh[i + 2] = start_g(i + 2)
            gh[i].wait()
            off = pl.multiple_of(base + i * _CHUNK, _CHUNK)
            wh[i] = pltpu.async_copy(
                rows[i % 3], out_hbm.at[pl.ds(off, _CHUNK)], ws[i % 3]
            )
        for i in range(max(0, nch - 3), nch):
            wh[i].wait()

    return k(ids_flat, token_table)


_TOK_BLK = 2048


def _tc_combine_body(bytes_t_ref, gathered_ref, pos_ref, btab_ref, out_ref):
    viota = lax.broadcasted_iota(jnp.int32, (_BYTE_VOCAB, _TOK_BLK), 0)
    cnt_t = jnp.zeros((_BYTE_VOCAB, _TOK_BLK), jnp.float32)
    for j in range(_N_BYTES):
        b = bytes_t_ref[j : j + 1, :]
        cnt_t = cnt_t + (b == viota).astype(jnp.float32)
    bag = lax.dot_general(
        cnt_t, btab_ref[...], (((0,), (0,)), ((), ())),
        preferred_element_type=jnp.float32,
    )
    out_ref[...] = gathered_ref[...] + pos_ref[...].astype(jnp.float32) + bag


def _tc_combine_into(big, bytes_t, gathered, pos_table, byte_table, b0, out_shape):
    n = gathered.shape[0]
    s = pos_table.shape[0]
    pos_blocks = s // _TOK_BLK
    nb = n // s
    tok_l = lambda p, b: b * pos_blocks + p
    tok_g = lambda p, b: (b0 + b) * pos_blocks + p
    in_specs = [
        pl.BlockSpec((_N_BYTES, _TOK_BLK), lambda p, b: (0, tok_l(p, b))),
        pl.BlockSpec((_TOK_BLK, _DM), lambda p, b: (tok_l(p, b), 0)),
        pl.BlockSpec((_TOK_BLK, _DM), lambda p, b: (p, 0)),
        pl.BlockSpec((_BYTE_VOCAB, _DM), lambda p, b: (0, 0)),
    ]
    args = (bytes_t, gathered, pos_table, byte_table)
    if big is None:
        body = _tc_combine_body
        aliases = {}
    else:
        body = lambda big_ref, bt, g, pos, btab, out: _tc_combine_body(
            bt, g, pos, btab, out
        )
        in_specs = [pl.BlockSpec(memory_space=pl.ANY)] + in_specs
        args = (big,) + args
        aliases = {0: 0}
    return pl.pallas_call(
        body,
        grid=(pos_blocks, nb),
        in_specs=in_specs,
        out_specs=pl.BlockSpec((_TOK_BLK, _DM), lambda p, b: (tok_g(p, b), 0)),
        out_shape=jax.ShapeDtypeStruct(out_shape, jnp.float32),
        input_output_aliases=aliases,
    )(*args)


_SPLITS = (1, 2, 1)


def kernel(input_ids, input_bytes, token_table, pos_table, byte_table):
    b, s = input_ids.shape
    n = b * s
    offs = [sum(_SPLITS[:i]) for i in range(len(_SPLITS))]
    gathered = [
        _sc_token_gather(
            input_ids[b0 : b0 + nb].reshape(nb * s), token_table
        )
        for b0, nb in zip(offs, _SPLITS)
    ]
    pos_table = pos_table.astype(jnp.bfloat16)
    big = None
    for g, b0, nb in zip(gathered, offs, _SPLITS):
        bytes_t = input_bytes[b0 : b0 + nb].reshape(nb * s, _N_BYTES).T
        big = _tc_combine_into(
            big, bytes_t, g, pos_table, byte_table, b0, (n, _DM)
        )
    return big.reshape(b, s, _DM)

# --- scband reference (transcript-rebuilt; emitter-appended) ---
"""Pipeline reference for scband-subtoken-embedding-block-16166256902962 (READ-ONLY COPY).

The authoritative reference and input builder live on the scoring server;
editing this copy changes nothing except your own understanding.
"""

import jax, jax.numpy as jnp
import numpy as np

VOCAB = 100000
DM = 1024
MAX_LEN = 2048
N_BYTES = 16
BYTE_VOCAB = 256
B, S = 4, 2048
INIT_SCALE = 0.02


def setup_inputs(seed: int = 0) -> dict:
    key = jax.random.key(seed)
    k1, k2, k3, k4, k5 = jax.random.split(key, 5)
    input_ids = jax.random.randint(k1, (B, S), 0, VOCAB, dtype=jnp.int64 if jax.config.jax_enable_x64 else jnp.int32).astype(jnp.int32)
    input_bytes = jax.random.randint(k2, (B, S, N_BYTES), 0, BYTE_VOCAB, dtype=jnp.int32)
    token_table = jax.random.normal(k3, (VOCAB, DM), dtype=jnp.float32) * INIT_SCALE
    pos_table = jax.random.normal(k4, (MAX_LEN, DM), dtype=jnp.float32) * INIT_SCALE
    byte_table = jax.random.normal(k5, (BYTE_VOCAB, DM), dtype=jnp.float32) * INIT_SCALE
    return {
        "input_ids": input_ids,
        "input_bytes": input_bytes,
        "token_table": token_table,
        "pos_table": pos_table,
        "byte_table": byte_table,
    }


def reference(input_ids, input_bytes, token_table, pos_table, byte_table):
    # TokenEmbedding: gather rows of the vocab table
    tokens_embeddings = jnp.take(token_table, input_ids, axis=0)  # [B, S, DM]
    # PositionalEmbedding: positions 0..S-1 looked up from pos table, broadcast over batch
    seq_len = input_ids.shape[1]
    positional_embeddings = jnp.take(pos_table, jnp.arange(seq_len), axis=0)[None, :, :]  # [1, S, DM]
    tokens_embeddings = tokens_embeddings + positional_embeddings
    # SubtokenEmbedding: per-token byte ids -> byte embedding table, reduced over the byte axis
    subtoken_embeddings = jnp.take(byte_table, input_bytes, axis=0).sum(axis=2)  # [B, S, DM]
    tokens_embeddings = tokens_embeddings + subtoken_embeddings
    return tokens_embeddings

if __name__ == "__main__":
    import jax
    _d = setup_inputs()
    print(jax.jit(kernel)(*tuple(_d.values())))

</pallas_src>

<mosaic_0001>
#map = affine_map<(d0, d1) -> (0)>
#map1 = affine_map<(d0, d1) -> (0, 0)>
module attributes {stable_mosaic.version = 14 : i64} {
  func.func @k(%arg0: i32, %arg1: i32, %arg2: memref<2048xi32, #tpu.memory_space<hbm>>, %arg3: memref<100000x1024xf32, #tpu.memory_space<hbm>>, %arg4: memref<2048x1024xf32, #tpu.memory_space<hbm>>, %arg5: memref<64xi32, #tpu.memory_space<vmem>>, %arg6: memref<32x1024xf32, #tpu.memory_space<vmem>>, %arg7: memref<32x1024xf32, #tpu.memory_space<vmem>>, %arg8: memref<32x1024xf32, #tpu.memory_space<vmem>>, %arg9: memref<!tpu.dma_semaphore, #tpu.memory_space<semaphore_mem>>, %arg10: memref<!tpu.dma_semaphore, #tpu.memory_space<semaphore_mem>>, %arg11: memref<!tpu.dma_semaphore, #tpu.memory_space<semaphore_mem>>, %arg12: memref<!tpu.dma_semaphore, #tpu.memory_space<semaphore_mem>>, %arg13: memref<!tpu.dma_semaphore, #tpu.memory_space<semaphore_mem>>, %arg14: memref<!tpu.dma_semaphore, #tpu.memory_space<semaphore_mem>>) attributes {dimension_semantics = [#tpu.dimension_semantics<core_parallel>, #tpu.dimension_semantics<subcore_parallel>], iteration_bounds = array<i64: 2, 16>, scalar_prefetch = 0 : i64, scratch_operands = 10 : i64, tpu.core_type = #tpu.core_type<sc_vector_subcore>, window_params = [{transform_indices = #map}, {transform_indices = #map1}, {transform_indices = #map1}]} {
    %mul3A = arith.constant 2 : i32
    %mul3A_0 = arith.muli %arg1, %mul3A : i32
    %add3A = arith.addi %mul3A_0, %arg0 : i32
    %mul3A_1 = arith.constant 64 : i32
    %mul3A_2 = arith.muli %add3A, %mul3A_1 : i32
    "tpu.region"() ({
      %run_scoped3A = tpu.sem_alloc : memref<!tpu.dma_semaphore, #tpu.memory_space<semaphore_mem>>
      %dma_start3A_42 = tpu.memref_slice %arg2[%mul3A_2] : memref<2048xi32, #tpu.memory_space<hbm>> -> memref<64xi32, #tpu.memory_space<hbm>>
      %dma_start3A_43 = tpu.memref_slice %arg2[%mul3A_2] : memref<2048xi32, #tpu.memory_space<hbm>> -> memref<64xi32, #tpu.memory_space<hbm>>
      tpu.enqueue_dma source(%dma_start3A_43 : memref<64xi32, #tpu.memory_space<hbm>>) target(%arg5 : memref<64xi32, #tpu.memory_space<vmem>>) target_semaphore(%run_scoped3A : memref<!tpu.dma_semaphore, #tpu.memory_space<semaphore_mem>>)
      %dma_wait3A_44 = tpu.memref_slice %arg2[%mul3A_2] : memref<2048xi32, #tpu.memory_space<hbm>> -> memref<64xi32, #tpu.memory_space<hbm>>
      %dma_wait3A_45 = tpu.memref_slice %arg2[%mul3A_2] : memref<2048xi32, #tpu.memory_space<hbm>> -> memref<64xi32, #tpu.memory_space<hbm>>
      tpu.wait_dma2 semaphore(%run_scoped3A : memref<!tpu.dma_semaphore, #tpu.memory_space<semaphore_mem>>) src(%dma_wait3A_45 : memref<64xi32, #tpu.memory_space<hbm>>) dst(%arg5 : memref<64xi32, #tpu.memory_space<vmem>>)
      tpu.yield
    }) : () -> ()
    %dma_start3A = arith.constant 0 : i32
    %dma_start3A_3 = tpu.memref_slice %arg5[%dma_start3A] : memref<64xi32, #tpu.memory_space<vmem>> -> memref<32xi32, #tpu.memory_space<vmem>>
    %dma_start3A_4 = arith.constant 0 : i32
    %dma_start3A_5 = arith.constant 0 : i32
    %dma_start3A_6 = tpu.memref_slice %arg3[%dma_start3A_4, %dma_start3A_5] : memref<100000x1024xf32, #tpu.memory_space<hbm>> -> memref<100000x1024xf32, #tpu.memory_space<hbm>>
    tpu.enqueue_indirect_dma source(%dma_start3A_6 : memref<100000x1024xf32, #tpu.memory_space<hbm>>) target(%arg6 : memref<32x1024xf32, #tpu.memory_space<vmem>>) offsets(%dma_start3A_3 : memref<32xi32, #tpu.memory_space<vmem>>) semaphore(%arg9 : memref<!tpu.dma_semaphore, #tpu.memory_space<semaphore_mem>>)
    %dma_start3A_7 = arith.constant 32 : i32
    %dma_start3A_8 = tpu.memref_slice %arg5[%dma_start3A_7] : memref<64xi32, #tpu.memory_space<vmem>> -> memref<32xi32, #tpu.memory_space<vmem>>
    %dma_start3A_9 = arith.constant 0 : i32
    %dma_start3A_10 = arith.constant 0 : i32
    %dma_start3A_11 = tpu.memref_slice %arg3[%dma_start3A_9, %dma_start3A_10] : memref<100000x1024xf32, #tpu.memory_space<hbm>> -> memref<100000x1024xf32, #tpu.memory_space<hbm>>
    tpu.enqueue_indirect_dma source(%dma_start3A_11 : memref<100000x1024xf32, #tpu.memory_space<hbm>>) target(%arg7 : memref<32x1024xf32, #tpu.memory_space<vmem>>) offsets(%dma_start3A_8 : memref<32xi32, #tpu.memory_space<vmem>>) semaphore(%arg10 : memref<!tpu.dma_semaphore, #tpu.memory_space<semaphore_mem>>)
    %dma_wait3A = arith.constant 0 : i32
    %dma_wait3A_12 = tpu.memref_slice %arg5[%dma_wait3A] : memref<64xi32, #tpu.memory_space<vmem>> -> memref<32xi32, #tpu.memory_space<vmem>>
    %dma_wait3A_13 = arith.constant 0 : i32
    %dma_wait3A_14 = arith.constant 0 : i32
    %dma_wait3A_15 = tpu.memref_slice %arg3[%dma_wait3A_13, %dma_wait3A_14] : memref<100000x1024xf32, #tpu.memory_space<hbm>> -> memref<100000x1024xf32, #tpu.memory_space<hbm>>
    tpu.wait_indirect_dma semaphore(%arg9 : memref<!tpu.dma_semaphore, #tpu.memory_space<semaphore_mem>>) src(%dma_wait3A_15 : memref<100000x1024xf32, #tpu.memory_space<hbm>>) dst(%arg6 : memref<32x1024xf32, #tpu.memory_space<vmem>>)
    %add3A_16 = arith.constant 0 : i32
    %add3A_17 = arith.addi %mul3A_2, %add3A_16 : i32
    %multiple_of3A = tpu.assume_multiple %add3A_17, 32 : i32
    %dma_start3A_18 = arith.constant 0 : i32
    %dma_start3A_19 = tpu.memref_slice %arg4[%multiple_of3A, %dma_start3A_18] : memref<2048x1024xf32, #tpu.memory_space<hbm>> -> memref<32x1024xf32, #tpu.memory_space<hbm>>
    %dma_start3A_20 = arith.constant 0 : i32
    %dma_start3A_21 = tpu.memref_slice %arg4[%multiple_of3A, %dma_start3A_20] : memref<2048x1024xf32, #tpu.memory_space<hbm>> -> memref<32x1024xf32, #tpu.memory_space<hbm>>
    tpu.enqueue_dma source(%arg6 : memref<32x1024xf32, #tpu.memory_space<vmem>>) target(%dma_start3A_21 : memref<32x1024xf32, #tpu.memory_space<hbm>>) target_semaphore(%arg12 : memref<!tpu.dma_semaphore, #tpu.memory_space<semaphore_mem>>)
    %dma_wait3A_22 = arith.constant 32 : i32
    %dma_wait3A_23 = tpu.memref_slice %arg5[%dma_wait3A_22] : memref<64xi32, #tpu.memory_space<vmem>> -> memref<32xi32, #tpu.memory_space<vmem>>
    %dma_wait3A_24 = arith.constant 0 : i32
    %dma_wait3A_25 = arith.constant 0 : i32
    %dma_wait3A_26 = tpu.memref_slice %arg3[%dma_wait3A_24, %dma_wait3A_25] : memref<100000x1024xf32, #tpu.memory_space<hbm>> -> memref<100000x1024xf32, #tpu.memory_space<hbm>>
    tpu.wait_indirect_dma semaphore(%arg10 : memref<!tpu.dma_semaphore, #tpu.memory_space<semaphore_mem>>) src(%dma_wait3A_26 : memref<100000x1024xf32, #tpu.memory_space<hbm>>) dst(%arg7 : memref<32x1024xf32, #tpu.memory_space<vmem>>)
    %add3A_27 = arith.constant 32 : i32
    %add3A_28 = arith.addi %mul3A_2, %add3A_27 : i32
    %multiple_of3A_29 = tpu.assume_multiple %add3A_28, 32 : i32
    %dma_start3A_30 = arith.constant 0 : i32
    %dma_start3A_31 = tpu.memref_slice %arg4[%multiple_of3A_29, %dma_start3A_30] : memref<2048x1024xf32, #tpu.memory_space<hbm>> -> memref<32x1024xf32, #tpu.memory_space<hbm>>
    %dma_start3A_32 = arith.constant 0 : i32
    %dma_start3A_33 = tpu.memref_slice %arg4[%multiple_of3A_29, %dma_start3A_32] : memref<2048x1024xf32, #tpu.memory_space<hbm>> -> memref<32x1024xf32, #tpu.memory_space<hbm>>
    tpu.enqueue_dma source(%arg7 : memref<32x1024xf32, #tpu.memory_space<vmem>>) target(%dma_start3A_33 : memref<32x1024xf32, #tpu.memory_space<hbm>>) target_semaphore(%arg13 : memref<!tpu.dma_semaphore, #tpu.memory_space<semaphore_mem>>)
    %dma_wait3A_34 = arith.constant 0 : i32
    %dma_wait3A_35 = tpu.memref_slice %arg4[%multiple_of3A, %dma_wait3A_34] : memref<2048x1024xf32, #tpu.memory_space<hbm>> -> memref<32x1024xf32, #tpu.memory_space<hbm>>
    %dma_wait3A_36 = arith.constant 0 : i32
    %dma_wait3A_37 = tpu.memref_slice %arg4[%multiple_of3A, %dma_wait3A_36] : memref<2048x1024xf32, #tpu.memory_space<hbm>> -> memref<32x1024xf32, #tpu.memory_space<hbm>>
    tpu.wait_dma2 semaphore(%arg12 : memref<!tpu.dma_semaphore, #tpu.memory_space<semaphore_mem>>) src(%arg6 : memref<32x1024xf32, #tpu.memory_space<vmem>>) dst(%dma_wait3A_37 : memref<32x1024xf32, #tpu.memory_space<hbm>>)
    %dma_wait3A_38 = arith.constant 0 : i32
    %dma_wait3A_39 = tpu.memref_slice %arg4[%multiple_of3A_29, %dma_wait3A_38] : memref<2048x1024xf32, #tpu.memory_space<hbm>> -> memref<32x1024xf32, #tpu.memory_space<hbm>>
    %dma_wait3A_40 = arith.constant 0 : i32
    %dma_wait3A_41 = tpu.memref_slice %arg4[%multiple_of3A_29, %dma_wait3A_40] : memref<2048x1024xf32, #tpu.memory_space<hbm>> -> memref<32x1024xf32, #tpu.memory_space<hbm>>
    tpu.wait_dma2 semaphore(%arg13 : memref<!tpu.dma_semaphore, #tpu.memory_space<semaphore_mem>>) src(%arg7 : memref<32x1024xf32, #tpu.memory_space<vmem>>) dst(%dma_wait3A_41 : memref<32x1024xf32, #tpu.memory_space<hbm>>)
    return
  }
}

#map = affine_map<(d0, d1) -> (0)>
#map1 = affine_map<(d0, d1) -> (0, 0)>
module attributes {stable_mosaic.version = 14 : i64} {
  func.func @k(%arg0: i32, %arg1: i32, %arg2: memref<4096xi32, #tpu.memory_space<hbm>>, %arg3: memref<100000x1024xf32, #tpu.memory_space<hbm>>, %arg4: memref<4096x1024xf32, #tpu.memory_space<hbm>>, %arg5: memref<128xi32, #tpu.memory_space<vmem>>, %arg6: memref<32x1024xf32, #tpu.memory_space<vmem>>, %arg7: memref<32x1024xf32, #tpu.memory_space<vmem>>, %arg8: memref<32x1024xf32, #tpu.memory_space<vmem>>, %arg9: memref<!tpu.dma_semaphore, #tpu.memory_space<semaphore_mem>>, %arg10: memref<!tpu.dma_semaphore, #tpu.memory_space<semaphore_mem>>, %arg11: memref<!tpu.dma_semaphore, #tpu.memory_space<semaphore_mem>>, %arg12: memref<!tpu.dma_semaphore, #tpu.memory_space<semaphore_mem>>, %arg13: memref<!tpu.dma_semaphore, #tpu.memory_space<semaphore_mem>>, %arg14: memref<!tpu.dma_semaphore, #tpu.memory_space<semaphore_mem>>) attributes {dimension_semantics = [#tpu.dimension_semantics<core_parallel>, #tpu.dimension_semantics<subcore_parallel>], iteration_bounds = array<i64: 2, 16>, scalar_prefetch = 0 : i64, scratch_operands = 10 : i64, tpu.core_type = #tpu.core_type<sc_vector_subcore>, window_params = [{transform_indices = #map}, {transform_indices = #map1}, {transform_indices = #map1}]} {
    %mul3A = arith.constant 2 : i32
    %mul3A_0 = arith.muli %arg1, %mul3A : i32
    %add3A = arith.addi %mul3A_0, %arg0 : i32
    %mul3A_1 = arith.constant 128 : i32
    %mul3A_2 = arith.muli %add3A, %mul3A_1 : i32
    "tpu.region"() ({
      %run_scoped3A = tpu.sem_alloc : memref<!tpu.dma_semaphore, #tpu.memory_space<semaphore_mem>>
      %dma_start3A_84 = tpu.memref_slice %arg2[%mul3A_2] : memref<4096xi32, #tpu.memory_space<hbm>> -> memref<128xi32, #tpu.memory_space<hbm>>
      %dma_start3A_85 = tpu.memref_slice %arg2[%mul3A_2] : memref<4096xi32, #tpu.memory_space<hbm>> -> memref<128xi32, #tpu.memory_space<hbm>>
      tpu.enqueue_dma source(%dma_start3A_85 : memref<128xi32, #tpu.memory_space<hbm>>) target(%arg5 : memref<128xi32, #tpu.memory_space<vmem>>) target_semaphore(%run_scoped3A : memref<!tpu.dma_semaphore, #tpu.memory_space<semaphore_mem>>)
      %dma_wait3A_86 = tpu.memref_slice %arg2[%mul3A_2] : memref<4096xi32, #tpu.memory_space<hbm>> -> memref<128xi32, #tpu.memory_space<hbm>>
      %dma_wait3A_87 = tpu.memref_slice %arg2[%mul3A_2] : memref<4096xi32, #tpu.memory_space<hbm>> -> memref<128xi32, #tpu.memory_space<hbm>>
      tpu.wait_dma2 semaphore(%run_scoped3A : memref<!tpu.dma_semaphore, #tpu.memory_space<semaphore_mem>>) src(%dma_wait3A_87 : memref<128xi32, #tpu.memory_space<hbm>>) dst(%arg5 : memref<128xi32, #tpu.memory_space<vmem>>)
      tpu.yield
    }) : () -> ()
    %dma_start3A = arith.constant 0 : i32
    %dma_start3A_3 = tpu.memref_slice %arg5[%dma_start3A] : memref<128xi32, #tpu.memory_space<vmem>> -> memref<32xi32, #tpu.memory_space<vmem>>
    %dma_start3A_4 = arith.constant 0 : i32
    %dma_start3A_5 = arith.constant 0 : i32
    %dma_start3A_6 = tpu.memref_slice %arg3[%dma_start3A_4, %dma_start3A_5] : memref<100000x1024xf32, #tpu.memory_space<hbm>> -> memref<100000x1024xf32, #tpu.memory_space<hbm>>
    tpu.enqueue_indirect_dma source(%dma_start3A_6 : memref<100000x1024xf32, #tpu.memory_space<hbm>>) target(%arg6 : memref<32x1024xf32, #tpu.memory_space<vmem>>) offsets(%dma_start3A_3 : memref<32xi32, #tpu.memory_space<vmem>>) semaphore(%arg9 : memref<!tpu.dma_semaphore, #tpu.memory_space<semaphore_mem>>)
    %dma_start3A_7 = arith.constant 32 : i32
    %dma_start3A_8 = tpu.memref_slice %arg5[%dma_start3A_7] : memref<128xi32, #tpu.memory_space<vmem>> -> memref<32xi32, #tpu.memory_space<vmem>>
    %dma_start3A_9 = arith.constant 0 : i32
    %dma_start3A_10 = arith.constant 0 : i32
    %dma_start3A_11 = tpu.memref_slice %arg3[%dma_start3A_9, %dma_start3A_10] : memref<100000x1024xf32, #tpu.memory_space<hbm>> -> memref<100000x1024xf32, #tpu.memory_space<hbm>>
    tpu.enqueue_indirect_dma source(%dma_start3A_11 : memref<100000x1024xf32, #tpu.memory_space<hbm>>) target(%arg7 : memref<32x1024xf32, #tpu.memory_space<vmem>>) offsets(%dma_start3A_8 : memref<32xi32, #tpu.memory_space<vmem>>) semaphore(%arg10 : memref<!tpu.dma_semaphore, #tpu.memory_space<semaphore_mem>>)
    %dma_start3A_12 = arith.constant 64 : i32
    %dma_start3A_13 = tpu.memref_slice %arg5[%dma_start3A_12] : memref<128xi32, #tpu.memory_space<vmem>> -> memref<32xi32, #tpu.memory_space<vmem>>
    %dma_start3A_14 = arith.constant 0 : i32
    %dma_start3A_15 = arith.constant 0 : i32
    %dma_start3A_16 = tpu.memref_slice %arg3[%dma_start3A_14, %dma_start3A_15] : memref<100000x1024xf32, #tpu.memory_space<hbm>> -> memref<100000x1024xf32, #tpu.memory_space<hbm>>
    tpu.enqueue_indirect_dma source(%dma_start3A_16 : memref<100000x1024xf32, #tpu.memory_space<hbm>>) target(%arg8 : memref<32x1024xf32, #tpu.memory_space<vmem>>) offsets(%dma_start3A_13 : memref<32xi32, #tpu.memory_space<vmem>>) semaphore(%arg11 : memref<!tpu.dma_semaphore, #tpu.memory_space<semaphore_mem>>)
    %dma_wait3A = arith.constant 0 : i32
    %dma_wait3A_17 = tpu.memref_slice %arg5[%dma_wait3A] : memref<128xi32, #tpu.memory_space<vmem>> -> memref<32xi32, #tpu.memory_space<vmem>>
    %dma_wait3A_18 = arith.constant 0 : i32
    %dma_wait3A_19 = arith.constant 0 : i32
    %dma_wait3A_20 = tpu.memref_slice %arg3[%dma_wait3A_18, %dma_wait3A_19] : memref<100000x1024xf32, #tpu.memory_space<hbm>> -> memref<100000x1024xf32, #tpu.memory_space<hbm>>
    tpu.wait_indirect_dma semaphore(%arg9 : memref<!tpu.dma_semaphore, #tpu.memory_space<semaphore_mem>>) src(%dma_wait3A_20 : memref<100000x1024xf32, #tpu.memory_space<hbm>>) dst(%arg6 : memref<32x1024xf32, #tpu.memory_space<vmem>>)
    %add3A_21 = arith.constant 0 : i32
    %add3A_22 = arith.addi %mul3A_2, %add3A_21 : i32
    %multiple_of3A = tpu.assume_multiple %add3A_22, 32 : i32
    %dma_start3A_23 = arith.constant 0 : i32
    %dma_start3A_24 = tpu.memref_slice %arg4[%multiple_of3A, %dma_start3A_23] : memref<4096x1024xf32, #tpu.memory_space<hbm>> -> memref<32x1024xf32, #tpu.memory_space<hbm>>
    %dma_start3A_25 = arith.constant 0 : i32
    %dma_start3A_26 = tpu.memref_slice %arg4[%multiple_of3A, %dma_start3A_25] : memref<4096x1024xf32, #tpu.memory_space<hbm>> -> memref<32x1024xf32, #tpu.memory_space<hbm>>
    tpu.enqueue_dma source(%arg6 : memref<32x1024xf32, #tpu.memory_space<vmem>>) target(%dma_start3A_26 : memref<32x1024xf32, #tpu.memory_space<hbm>>) target_semaphore(%arg12 : memref<!tpu.dma_semaphore, #tpu.memory_space<semaphore_mem>>)
    %dma_wait3A_27 = arith.constant 0 : i32
    %dma_wait3A_28 = tpu.memref_slice %arg4[%multiple_of3A, %dma_wait3A_27] : memref<4096x1024xf32, #tpu.memory_space<hbm>> -> memref<32x1024xf32, #tpu.memory_space<hbm>>
    %dma_wait3A_29 = arith.constant 0 : i32
    %dma_wait3A_30 = tpu.memref_slice %arg4[%multiple_of3A, %dma_wait3A_29] : memref<4096x1024xf32, #tpu.memory_space<hbm>> -> memref<32x1024xf32, #tpu.memory_space<hbm>>
    tpu.wait_dma2 semaphore(%arg12 : memref<!tpu.dma_semaphore, #tpu.memory_space<semaphore_mem>>) src(%arg6 : memref<32x1024xf32, #tpu.memory_space<vmem>>) dst(%dma_wait3A_30 : memref<32x1024xf32, #tpu.memory_space<hbm>>)
    %dma_start3A_31 = arith.constant 96 : i32
    %dma_start3A_32 = tpu.memref_slice %arg5[%dma_start3A_31] : memref<128xi32, #tpu.memory_space<vmem>> -> memref<32xi32, #tpu.memory_space<vmem>>
    %dma_start3A_33 = arith.constant 0 : i32
    %dma_start3A_34 = arith.constant 0 : i32
    %dma_start3A_35 = tpu.memref_slice %arg3[%dma_start3A_33, %dma_start3A_34] : memref<100000x1024xf32, #tpu.memory_space<hbm>> -> memref<100000x1024xf32, #tpu.memory_space<hbm>>
    tpu.enqueue_indirect_dma source(%dma_start3A_35 : memref<100000x1024xf32, #tpu.memory_space<hbm>>) target(%arg6 : memref<32x1024xf32, #tpu.memory_space<vmem>>) offsets(%dma_start3A_32 : memref<32xi32, #tpu.memory_space<vmem>>) semaphore(%arg9 : memref<!tpu.dma_semaphore, #tpu.memory_space<semaphore_mem>>)
    %dma_wait3A_36 = arith.constant 32 : i32
    %dma_wait3A_37 = tpu.memref_slice %arg5[%dma_wait3A_36] : memref<128xi32, #tpu.memory_space<vmem>> -> memref<32xi32, #tpu.memory_space<vmem>>
    %dma_wait3A_38 = arith.constant 0 : i32
    %dma_wait3A_39 = arith.constant 0 : i32
    %dma_wait3A_40 = tpu.memref_slice %arg3[%dma_wait3A_38, %dma_wait3A_39] : memref<100000x1024xf32, #tpu.memory_space<hbm>> -> memref<100000x1024xf32, #tpu.memory_space<hbm>>
    tpu.wait_indirect_dma semaphore(%arg10 : memref<!tpu.dma_semaphore, #tpu.memory_space<semaphore_mem>>) src(%dma_wait3A_40 : memref<100000x1024xf32, #tpu.memory_space<hbm>>) dst(%arg7 : memref<32x1024xf32, #tpu.memory_space<vmem>>)
    %add3A_41 = arith.constant 32 : i32
    %add3A_42 = arith.addi %mul3A_2, %add3A_41 : i32
    %multiple_of3A_43 = tpu.assume_multiple %add3A_42, 32 : i32
    %dma_start3A_44 = arith.constant 0 : i32
    %dma_start3A_45 = tpu.memref_slice %arg4[%multiple_of3A_43, %dma_start3A_44] : memref<4096x1024xf32, #tpu.memory_space<hbm>> -> memref<32x1024xf32, #tpu.memory_space<hbm>>
    %dma_start3A_46 = arith.constant 0 : i32
    %dma_start3A_47 = tpu.memref_slice %arg4[%multiple_of3A_43, %dma_start3A_46] : memref<4096x1024xf32, #tpu.memory_space<hbm>> -> memref<32x1024xf32, #tpu.memory_space<hbm>>
    tpu.enqueue_dma source(%arg7 : memref<32x1024xf32, #tpu.memory_space<vmem>>) target(%dma_start3A_47 : memref<32x1024xf32, #tpu.memory_space<hbm>>) target_semaphore(%arg13 : memref<!tpu.dma_semaphore, #tpu.memory_space<semaphore_mem>>)
    %dma_wait3A_48 = arith.constant 64 : i32
    %dma_wait3A_49 = tpu.memref_slice %arg5[%dma_wait3A_48] : memref<128xi32, #tpu.memory_space<vmem>> -> memref<32xi32, #tpu.memory_space<vmem>>
    %dma_wait3A_50 = arith.constant 0 : i32
    %dma_wait3A_51 = arith.constant 0 : i32
    %dma_wait3A_52 = tpu.memref_slice %arg3[%dma_wait3A_50, %dma_wait3A_51] : memref<100000x1024xf32, #tpu.memory_space<hbm>> -> memref<100000x1024xf32, #tpu.memory_space<hbm>>
    tpu.wait_indirect_dma semaphore(%arg11 : memref<!tpu.dma_semaphore, #tpu.memory_space<semaphore_mem>>) src(%dma_wait3A_52 : memref<100000x1024xf32, #tpu.memory_space<hbm>>) dst(%arg8 : memref<32x1024xf32, #tpu.memory_space<vmem>>)
    %add3A_53 = arith.constant 64 : i32
    %add3A_54 = arith.addi %mul3A_2, %add3A_53 : i32
    %multiple_of3A_55 = tpu.assume_multiple %add3A_54, 32 : i32
    %dma_start3A_56 = arith.constant 0 : i32
    %dma_start3A_57 = tpu.memref_slice %arg4[%multiple_of3A_55, %dma_start3A_56] : memref<4096x1024xf32, #tpu.memory_space<hbm>> -> memref<32x1024xf32, #tpu.memory_space<hbm>>
    %dma_start3A_58 = arith.constant 0 : i32
    %dma_start3A_59 = tpu.memref_slice %arg4[%multiple_of3A_55, %dma_start3A_58] : memref<4096x1024xf32, #tpu.memory_space<hbm>> -> memref<32x1024xf32, #tpu.memory_space<hbm>>
    tpu.enqueue_dma source(%arg8 : memref<32x1024xf32, #tpu.memory_space<vmem>>) target(%dma_start3A_59 : memref<32x1024xf32, #tpu.memory_space<hbm>>) target_semaphore(%arg14 : memref<!tpu.dma_semaphore, #tpu.memory_space<semaphore_mem>>)
    %dma_wait3A_60 = arith.constant 96 : i32
    %dma_wait3A_61 = tpu.memref_slice %arg5[%dma_wait3A_60] : memref<128xi32, #tpu.memory_space<vmem>> -> memref<32xi32, #tpu.memory_space<vmem>>
    %dma_wait3A_62 = arith.constant 0 : i32
    %dma_wait3A_63 = arith.constant 0 : i32
    %dma_wait3A_64 = tpu.memref_slice %arg3[%dma_wait3A_62, %dma_wait3A_63] : memref<100000x1024xf32, #tpu.memory_space<hbm>> -> memref<100000x1024xf32, #tpu.memory_space<hbm>>
    tpu.wait_indirect_dma semaphore(%arg9 : memref<!tpu.dma_semaphore, #tpu.memory_space<semaphore_mem>>) src(%dma_wait3A_64 : memref<100000x1024xf32, #tpu.memory_space<hbm>>) dst(%arg6 : memref<32x1024xf32, #tpu.memory_space<vmem>>)
    %add3A_65 = arith.constant 96 : i32
    %add3A_66 = arith.addi %mul3A_2, %add3A_65 : i32
    %multiple_of3A_67 = tpu.assume_multiple %add3A_66, 32 : i32
    %dma_start3A_68 = arith.constant 0 : i32
    %dma_start3A_69 = tpu.memref_slice %arg4[%multiple_of3A_67, %dma_start3A_68] : memref<4096x1024xf32, #tpu.memory_space<hbm>> -> memref<32x1024xf32, #tpu.memory_space<hbm>>
    %dma_start3A_70 = arith.constant 0 : i32
    %dma_start3A_71 = tpu.memref_slice %arg4[%multiple_of3A_67, %dma_start3A_70] : memref<4096x1024xf32, #tpu.memory_space<hbm>> -> memref<32x1024xf32, #tpu.memory_space<hbm>>
    tpu.enqueue_dma source(%arg6 : memref<32x1024xf32, #tpu.memory_space<vmem>>) target(%dma_start3A_71 : memref<32x1024xf32, #tpu.memory_space<hbm>>) target_semaphore(%arg12 : memref<!tpu.dma_semaphore, #tpu.memory_space<semaphore_mem>>)
    %dma_wait3A_72 = arith.constant 0 : i32
    %dma_wait3A_73 = tpu.memref_slice %arg4[%multiple_of3A_43, %dma_wait3A_72] : memref<4096x1024xf32, #tpu.memory_space<hbm>> -> memref<32x1024xf32, #tpu.memory_space<hbm>>
    %dma_wait3A_74 = arith.constant 0 : i32
    %dma_wait3A_75 = tpu.memref_slice %arg4[%multiple_of3A_43, %dma_wait3A_74] : memref<4096x1024xf32, #tpu.memory_space<hbm>> -> memref<32x1024xf32, #tpu.memory_space<hbm>>
    tpu.wait_dma2 semaphore(%arg13 : memref<!tpu.dma_semaphore, #tpu.memory_space<semaphore_mem>>) src(%arg7 : memref<32x1024xf32, #tpu.memory_space<vmem>>) dst(%dma_wait3A_75 : memref<32x1024xf32, #tpu.memory_space<hbm>>)
    %dma_wait3A_76 = arith.constant 0 : i32
    %dma_wait3A_77 = tpu.memref_slice %arg4[%multiple_of3A_55, %dma_wait3A_76] : memref<4096x1024xf32, #tpu.memory_space<hbm>> -> memref<32x1024xf32, #tpu.memory_space<hbm>>
    %dma_wait3A_78 = arith.constant 0 : i32
    %dma_wait3A_79 = tpu.memref_slice %arg4[%multiple_of3A_55, %dma_wait3A_78] : memref<4096x1024xf32, #tpu.memory_space<hbm>> -> memref<32x1024xf32, #tpu.memory_space<hbm>>
    tpu.wait_dma2 semaphore(%arg14 : memref<!tpu.dma_semaphore, #tpu.memory_space<semaphore_mem>>) src(%arg8 : memref<32x1024xf32, #tpu.memory_space<vmem>>) dst(%dma_wait3A_79 : memref<32x1024xf32, #tpu.memory_space<hbm>>)
    %dma_wait3A_80 = arith.constant 0 : i32
    %dma_wait3A_81 = tpu.memref_slice %arg4[%multiple_of3A_67, %dma_wait3A_80] : memref<4096x1024xf32, #tpu.memory_space<hbm>> -> memref<32x1024xf32, #tpu.memory_space<hbm>>
    %dma_wait3A_82 = arith.constant 0 : i32
    %dma_wait3A_83 = tpu.memref_slice %arg4[%multiple_of3A_67, %dma_wait3A_82] : memref<4096x1024xf32, #tpu.memory_space<hbm>> -> memref<32x1024xf32, #tpu.memory_space<hbm>>
    tpu.wait_dma2 semaphore(%arg12 : memref<!tpu.dma_semaphore, #tpu.memory_space<semaphore_mem>>) src(%arg6 : memref<32x1024xf32, #tpu.memory_space<vmem>>) dst(%dma_wait3A_83 : memref<32x1024xf32, #tpu.memory_space<hbm>>)
    return
  }
}

#map = affine_map<(d0, d1) -> (0)>
#map1 = affine_map<(d0, d1) -> (0, 0)>
module attributes {stable_mosaic.version = 14 : i64} {
  func.func @k(%arg0: i32, %arg1: i32, %arg2: memref<2048xi32, #tpu.memory_space<hbm>>, %arg3: memref<100000x1024xf32, #tpu.memory_space<hbm>>, %arg4: memref<2048x1024xf32, #tpu.memory_space<hbm>>, %arg5: memref<64xi32, #tpu.memory_space<vmem>>, %arg6: memref<32x1024xf32, #tpu.memory_space<vmem>>, %arg7: memref<32x1024xf32, #tpu.memory_space<vmem>>, %arg8: memref<32x1024xf32, #tpu.memory_space<vmem>>, %arg9: memref<!tpu.dma_semaphore, #tpu.memory_space<semaphore_mem>>, %arg10: memref<!tpu.dma_semaphore, #tpu.memory_space<semaphore_mem>>, %arg11: memref<!tpu.dma_semaphore, #tpu.memory_space<semaphore_mem>>, %arg12: memref<!tpu.dma_semaphore, #tpu.memory_space<semaphore_mem>>, %arg13: memref<!tpu.dma_semaphore, #tpu.memory_space<semaphore_mem>>, %arg14: memref<!tpu.dma_semaphore, #tpu.memory_space<semaphore_mem>>) attributes {dimension_semantics = [#tpu.dimension_semantics<core_parallel>, #tpu.dimension_semantics<subcore_parallel>], iteration_bounds = array<i64: 2, 16>, scalar_prefetch = 0 : i64, scratch_operands = 10 : i64, tpu.core_type = #tpu.core_type<sc_vector_subcore>, window_params = [{transform_indices = #map}, {transform_indices = #map1}, {transform_indices = #map1}]} {
    %mul3A = arith.constant 2 : i32
    %mul3A_0 = arith.muli %arg1, %mul3A : i32
    %add3A = arith.addi %mul3A_0, %arg0 : i32
    %mul3A_1 = arith.constant 64 : i32
    %mul3A_2 = arith.muli %add3A, %mul3A_1 : i32
    "tpu.region"() ({
      %run_scoped3A = tpu.sem_alloc : memref<!tpu.dma_semaphore, #tpu.memory_space<semaphore_mem>>
      %dma_start3A_42 = tpu.memref_slice %arg2[%mul3A_2] : memref<2048xi32, #tpu.memory_space<hbm>> -> memref<64xi32, #tpu.memory_space<hbm>>
      %dma_start3A_43 = tpu.memref_slice %arg2[%mul3A_2] : memref<2048xi32, #tpu.memory_space<hbm>> -> memref<64xi32, #tpu.memory_space<hbm>>
      tpu.enqueue_dma source(%dma_start3A_43 : memref<64xi32, #tpu.memory_space<hbm>>) target(%arg5 : memref<64xi32, #tpu.memory_space<vmem>>) target_semaphore(%run_scoped3A : memref<!tpu.dma_semaphore, #tpu.memory_space<semaphore_mem>>)
      %dma_wait3A_44 = tpu.memref_slice %arg2[%mul3A_2] : memref<2048xi32, #tpu.memory_space<hbm>> -> memref<64xi32, #tpu.memory_space<hbm>>
      %dma_wait3A_45 = tpu.memref_slice %arg2[%mul3A_2] : memref<2048xi32, #tpu.memory_space<hbm>> -> memref<64xi32, #tpu.memory_space<hbm>>
      tpu.wait_dma2 semaphore(%run_scoped3A : memref<!tpu.dma_semaphore, #tpu.memory_space<semaphore_mem>>) src(%dma_wait3A_45 : memref<64xi32, #tpu.memory_space<hbm>>) dst(%arg5 : memref<64xi32, #tpu.memory_space<vmem>>)
      tpu.yield
    }) : () -> ()
    %dma_start3A = arith.constant 0 : i32
    %dma_start3A_3 = tpu.memref_slice %arg5[%dma_start3A] : memref<64xi32, #tpu.memory_space<vmem>> -> memref<32xi32, #tpu.memory_space<vmem>>
    %dma_start3A_4 = arith.constant 0 : i32
    %dma_start3A_5 = arith.constant 0 : i32
    %dma_start3A_6 = tpu.memref_slice %arg3[%dma_start3A_4, %dma_start3A_5] : memref<100000x1024xf32, #tpu.memory_space<hbm>> -> memref<100000x1024xf32, #tpu.memory_space<hbm>>
    tpu.enqueue_indirect_dma source(%dma_start3A_6 : memref<100000x1024xf32, #tpu.memory_space<hbm>>) target(%arg6 : memref<32x1024xf32, #tpu.memory_space<vmem>>) offsets(%dma_start3A_3 : memref<32xi32, #tpu.memory_space<vmem>>) semaphore(%arg9 : memref<!tpu.dma_semaphore, #tpu.memory_space<semaphore_mem>>)
    %dma_start3A_7 = arith.constant 32 : i32
    %dma_start3A_8 = tpu.memref_slice %arg5[%dma_start3A_7] : memref<64xi32, #tpu.memory_space<vmem>> -> memref<32xi32, #tpu.memory_space<vmem>>
    %dma_start3A_9 = arith.constant 0 : i32
    %dma_start3A_10 = arith.constant 0 : i32
    %dma_start3A_11 = tpu.memref_slice %arg3[%dma_start3A_9, %dma_start3A_10] : memref<100000x1024xf32, #tpu.memory_space<hbm>> -> memref<100000x1024xf32, #tpu.memory_space<hbm>>
    tpu.enqueue_indirect_dma source(%dma_start3A_11 : memref<100000x1024xf32, #tpu.memory_space<hbm>>) target(%arg7 : memref<32x1024xf32, #tpu.memory_space<vmem>>) offsets(%dma_start3A_8 : memref<32xi32, #tpu.memory_space<vmem>>) semaphore(%arg10 : memref<!tpu.dma_semaphore, #tpu.memory_space<semaphore_mem>>)
    %dma_wait3A = arith.constant 0 : i32
    %dma_wait3A_12 = tpu.memref_slice %arg5[%dma_wait3A] : memref<64xi32, #tpu.memory_space<vmem>> -> memref<32xi32, #tpu.memory_space<vmem>>
    %dma_wait3A_13 = arith.constant 0 : i32
    %dma_wait3A_14 = arith.constant 0 : i32
    %dma_wait3A_15 = tpu.memref_slice %arg3[%dma_wait3A_13, %dma_wait3A_14] : memref<100000x1024xf32, #tpu.memory_space<hbm>> -> memref<100000x1024xf32, #tpu.memory_space<hbm>>
    tpu.wait_indirect_dma semaphore(%arg9 : memref<!tpu.dma_semaphore, #tpu.memory_space<semaphore_mem>>) src(%dma_wait3A_15 : memref<100000x1024xf32, #tpu.memory_space<hbm>>) dst(%arg6 : memref<32x1024xf32, #tpu.memory_space<vmem>>)
    %add3A_16 = arith.constant 0 : i32
    %add3A_17 = arith.addi %mul3A_2, %add3A_16 : i32
    %multiple_of3A = tpu.assume_multiple %add3A_17, 32 : i32
    %dma_start3A_18 = arith.constant 0 : i32
    %dma_start3A_19 = tpu.memref_slice %arg4[%multiple_of3A, %dma_start3A_18] : memref<2048x1024xf32, #tpu.memory_space<hbm>> -> memref<32x1024xf32, #tpu.memory_space<hbm>>
    %dma_start3A_20 = arith.constant 0 : i32
    %dma_start3A_21 = tpu.memref_slice %arg4[%multiple_of3A, %dma_start3A_20] : memref<2048x1024xf32, #tpu.memory_space<hbm>> -> memref<32x1024xf32, #tpu.memory_space<hbm>>
    tpu.enqueue_dma source(%arg6 : memref<32x1024xf32, #tpu.memory_space<vmem>>) target(%dma_start3A_21 : memref<32x1024xf32, #tpu.memory_space<hbm>>) target_semaphore(%arg12 : memref<!tpu.dma_semaphore, #tpu.memory_space<semaphore_mem>>)
    %dma_wait3A_22 = arith.constant 32 : i32
    %dma_wait3A_23 = tpu.memref_slice %arg5[%dma_wait3A_22] : memref<64xi32, #tpu.memory_space<vmem>> -> memref<32xi32, #tpu.memory_space<vmem>>
    %dma_wait3A_24 = arith.constant 0 : i32
    %dma_wait3A_25 = arith.constant 0 : i32
    %dma_wait3A_26 = tpu.memref_slice %arg3[%dma_wait3A_24, %dma_wait3A_25] : memref<100000x1024xf32, #tpu.memory_space<hbm>> -> memref<100000x1024xf32, #tpu.memory_space<hbm>>
    tpu.wait_indirect_dma semaphore(%arg10 : memref<!tpu.dma_semaphore, #tpu.memory_space<semaphore_mem>>) src(%dma_wait3A_26 : memref<100000x1024xf32, #tpu.memory_space<hbm>>) dst(%arg7 : memref<32x1024xf32, #tpu.memory_space<vmem>>)
    %add3A_27 = arith.constant 32 : i32
    %add3A_28 = arith.addi %mul3A_2, %add3A_27 : i32
    %multiple_of3A_29 = tpu.assume_multiple %add3A_28, 32 : i32
    %dma_start3A_30 = arith.constant 0 : i32
    %dma_start3A_31 = tpu.memref_slice %arg4[%multiple_of3A_29, %dma_start3A_30] : memref<2048x1024xf32, #tpu.memory_space<hbm>> -> memref<32x1024xf32, #tpu.memory_space<hbm>>
    %dma_start3A_32 = arith.constant 0 : i32
    %dma_start3A_33 = tpu.memref_slice %arg4[%multiple_of3A_29, %dma_start3A_32] : memref<2048x1024xf32, #tpu.memory_space<hbm>> -> memref<32x1024xf32, #tpu.memory_space<hbm>>
    tpu.enqueue_dma source(%arg7 : memref<32x1024xf32, #tpu.memory_space<vmem>>) target(%dma_start3A_33 : memref<32x1024xf32, #tpu.memory_space<hbm>>) target_semaphore(%arg13 : memref<!tpu.dma_semaphore, #tpu.memory_space<semaphore_mem>>)
    %dma_wait3A_34 = arith.constant 0 : i32
    %dma_wait3A_35 = tpu.memref_slice %arg4[%multiple_of3A, %dma_wait3A_34] : memref<2048x1024xf32, #tpu.memory_space<hbm>> -> memref<32x1024xf32, #tpu.memory_space<hbm>>
    %dma_wait3A_36 = arith.constant 0 : i32
    %dma_wait3A_37 = tpu.memref_slice %arg4[%multiple_of3A, %dma_wait3A_36] : memref<2048x1024xf32, #tpu.memory_space<hbm>> -> memref<32x1024xf32, #tpu.memory_space<hbm>>
    tpu.wait_dma2 semaphore(%arg12 : memref<!tpu.dma_semaphore, #tpu.memory_space<semaphore_mem>>) src(%arg6 : memref<32x1024xf32, #tpu.memory_space<vmem>>) dst(%dma_wait3A_37 : memref<32x1024xf32, #tpu.memory_space<hbm>>)
    %dma_wait3A_38 = arith.constant 0 : i32
    %dma_wait3A_39 = tpu.memref_slice %arg4[%multiple_of3A_29, %dma_wait3A_38] : memref<2048x1024xf32, #tpu.memory_space<hbm>> -> memref<32x1024xf32, #tpu.memory_space<hbm>>
    %dma_wait3A_40 = arith.constant 0 : i32
    %dma_wait3A_41 = tpu.memref_slice %arg4[%multiple_of3A_29, %dma_wait3A_40] : memref<2048x1024xf32, #tpu.memory_space<hbm>> -> memref<32x1024xf32, #tpu.memory_space<hbm>>
    tpu.wait_dma2 semaphore(%arg13 : memref<!tpu.dma_semaphore, #tpu.memory_space<semaphore_mem>>) src(%arg7 : memref<32x1024xf32, #tpu.memory_space<vmem>>) dst(%dma_wait3A_41 : memref<32x1024xf32, #tpu.memory_space<hbm>>)
    return
  }
}

module attributes {stable_mosaic.version = 14 : i64} {
  func.func @_lambda_(%arg0: i32, %arg1: i32, %arg2: memref<8192x1024xf32, #tpu.memory_space<any>>, %arg3: memref<16x2048xi32, #tpu.memory_space<vmem>>, %arg4: memref<2048x1024xf32, #tpu.memory_space<vmem>>, %arg5: memref<2048x1024xbf16, #tpu.memory_space<vmem>>, %arg6: memref<256x1024xf32, #tpu.memory_space<vmem>>, %arg7: memref<2048x1024xf32, #tpu.memory_space<vmem>>) attributes {dimension_semantics = [#tpu.dimension_semantics<arbitrary>, #tpu.dimension_semantics<arbitrary>], iteration_bounds = array<i64: 1, 2>, scalar_prefetch = 0 : i64, scratch_operands = 0 : i64, tpu.core_type = #tpu.core_type<tc>, window_params = [{}, {transform_indices = @transform_1, window_bounds = array<i64: 16, 2048>}, {transform_indices = @transform_2, window_bounds = array<i64: 2048, 1024>}, {transform_indices = @transform_3, window_bounds = array<i64: 2048, 1024>}, {pipeline_mode = #tpu.pipeline_mode<synchronous>, transform_indices = @transform_4, window_bounds = array<i64: 256, 1024>}, {transform_indices = @transform_5, window_bounds = array<i64: 2048, 1024>}]} {
    %iota3A = tpu.iota {dimensions = array<i32: 0>} : vector<256x2048xi32>
    %broadcast_in_dim3A = arith.constant 0.000000e+00 : f32
    %broadcast_in_dim3A_0 = vector.broadcast %broadcast_in_dim3A : f32 to vector<256x2048xf32>
    %get3A = arith.constant 0 : index
    %get3A_1 = arith.constant 0 : index
    %get3A_2 = vector.load %arg3[%get3A, %get3A_1] : memref<16x2048xi32, #tpu.memory_space<vmem>>, vector<1x2048xi32>
    %eq3A = vector.broadcast %get3A_2 : vector<1x2048xi32> to vector<256x2048xi32>
    %eq3A_3 = arith.cmpi eq, %eq3A, %iota3A : vector<256x2048xi32>
    %convert_element_type3A = arith.extui %eq3A_3 : vector<256x2048xi1> to vector<256x2048xi32>
    %convert_element_type3A_4 = arith.sitofp %convert_element_type3A : vector<256x2048xi32> to vector<256x2048xf32>
    %add3A = arith.addf %broadcast_in_dim3A_0, %convert_element_type3A_4 : vector<256x2048xf32>
    %get3A_5 = arith.constant 1 : index
    %get3A_6 = arith.constant 0 : index
    %get3A_7 = vector.load %arg3[%get3A_5, %get3A_6] : memref<16x2048xi32, #tpu.memory_space<vmem>>, vector<1x2048xi32>
    %eq3A_8 = vector.broadcast %get3A_7 : vector<1x2048xi32> to vector<256x2048xi32>
    %eq3A_9 = arith.cmpi eq, %eq3A_8, %iota3A : vector<256x2048xi32>
    %convert_element_type3A_10 = arith.extui %eq3A_9 : vector<256x2048xi1> to vector<256x2048xi32>
    %convert_element_type3A_11 = arith.sitofp %convert_element_type3A_10 : vector<256x2048xi32> to vector<256x2048xf32>
    %add3A_12 = arith.addf %add3A, %convert_element_type3A_11 : vector<256x2048xf32>
    %get3A_13 = arith.constant 2 : index
    %get3A_14 = arith.constant 0 : index
    %get3A_15 = vector.load %arg3[%get3A_13, %get3A_14] : memref<16x2048xi32, #tpu.memory_space<vmem>>, vector<1x2048xi32>
    %eq3A_16 = vector.broadcast %get3A_15 : vector<1x2048xi32> to vector<256x2048xi32>
    %eq3A_17 = arith.cmpi eq, %eq3A_16, %iota3A : vector<256x2048xi32>
    %convert_element_type3A_18 = arith.extui %eq3A_17 : vector<256x2048xi1> to vector<256x2048xi32>
    %convert_element_type3A_19 = arith.sitofp %convert_element_type3A_18 : vector<256x2048xi32> to vector<256x2048xf32>
    %add3A_20 = arith.addf %add3A_12, %convert_element_type3A_19 : vector<256x2048xf32>
    %get3A_21 = arith.constant 3 : index
    %get3A_22 = arith.constant 0 : index
    %get3A_23 = vector.load %arg3[%get3A_21, %get3A_22] : memref<16x2048xi32, #tpu.memory_space<vmem>>, vector<1x2048xi32>
    %eq3A_24 = vector.broadcast %get3A_23 : vector<1x2048xi32> to vector<256x2048xi32>
    %eq3A_25 = arith.cmpi eq, %eq3A_24, %iota3A : vector<256x2048xi32>
    %convert_element_type3A_26 = arith.extui %eq3A_25 : vector<256x2048xi1> to vector<256x2048xi32>
    %convert_element_type3A_27 = arith.sitofp %convert_element_type3A_26 : vector<256x2048xi32> to vector<256x2048xf32>
    %add3A_28 = arith.addf %add3A_20, %convert_element_type3A_27 : vector<256x2048xf32>
    %get3A_29 = arith.constant 4 : index
    %get3A_30 = arith.constant 0 : index
    %get3A_31 = vector.load %arg3[%get3A_29, %get3A_30] : memref<16x2048xi32, #tpu.memory_space<vmem>>, vector<1x2048xi32>
    %eq3A_32 = vector.broadcast %get3A_31 : vector<1x2048xi32> to vector<256x2048xi32>
    %eq3A_33 = arith.cmpi eq, %eq3A_32, %iota3A : vector<256x2048xi32>
    %convert_element_type3A_34 = arith.extui %eq3A_33 : vector<256x2048xi1> to vector<256x2048xi32>
    %convert_element_type3A_35 = arith.sitofp %convert_element_type3A_34 : vector<256x2048xi32> to vector<256x2048xf32>
    %add3A_36 = arith.addf %add3A_28, %convert_element_type3A_35 : vector<256x2048xf32>
    %get3A_37 = arith.constant 5 : index
    %get3A_38 = arith.constant 0 : index
    %get3A_39 = vector.load %arg3[%get3A_37, %get3A_38] : memref<16x2048xi32, #tpu.memory_space<vmem>>, vector<1x2048xi32>
    %eq3A_40 = vector.broadcast %get3A_39 : vector<1x2048xi32> to vector<256x2048xi32>
    %eq3A_41 = arith.cmpi eq, %eq3A_40, %iota3A : vector<256x2048xi32>
    %convert_element_type3A_42 = arith.extui %eq3A_41 : vector<256x2048xi1> to vector<256x2048xi32>
    %convert_element_type3A_43 = arith.sitofp %convert_element_type3A_42 : vector<256x2048xi32> to vector<256x2048xf32>
    %add3A_44 = arith.addf %add3A_36, %convert_element_type3A_43 : vector<256x2048xf32>
    %get3A_45 = arith.constant 6 : index
    %get3A_46 = arith.constant 0 : index
    %get3A_47 = vector.load %arg3[%get3A_45, %get3A_46] : memref<16x2048xi32, #tpu.memory_space<vmem>>, vector<1x2048xi32>
    %eq3A_48 = vector.broadcast %get3A_47 : vector<1x2048xi32> to vector<256x2048xi32>
    %eq3A_49 = arith.cmpi eq, %eq3A_48, %iota3A : vector<256x2048xi32>
    %convert_element_type3A_50 = arith.extui %eq3A_49 : vector<256x2048xi1> to vector<256x2048xi32>
    %convert_element_type3A_51 = arith.sitofp %convert_element_type3A_50 : vector<256x2048xi32> to vector<256x2048xf32>
    %add3A_52 = arith.addf %add3A_44, %convert_element_type3A_51 : vector<256x2048xf32>
    %get3A_53 = arith.constant 7 : index
    %get3A_54 = arith.constant 0 : index
    %get3A_55 = vector.load %arg3[%get3A_53, %get3A_54] : memref<16x2048xi32, #tpu.memory_space<vmem>>, vector<1x2048xi32>
    %eq3A_56 = vector.broadcast %get3A_55 : vector<1x2048xi32> to vector<256x2048xi32>
    %eq3A_57 = arith.cmpi eq, %eq3A_56, %iota3A : vector<256x2048xi32>
    %convert_element_type3A_58 = arith.extui %eq3A_57 : vector<256x2048xi1> to vector<256x2048xi32>
    %convert_element_type3A_59 = arith.sitofp %convert_element_type3A_58 : vector<256x2048xi32> to vector<256x2048xf32>
    %add3A_60 = arith.addf %add3A_52, %convert_element_type3A_59 : vector<256x2048xf32>
    %get3A_61 = arith.constant 8 : index
    %get3A_62 = arith.constant 0 : index
    %get3A_63 = vector.load %arg3[%get3A_61, %get3A_62] : memref<16x2048xi32, #tpu.memory_space<vmem>>, vector<1x2048xi32>
    %eq3A_64 = vector.broadcast %get3A_63 : vector<1x2048xi32> to vector<256x2048xi32>
    %eq3A_65 = arith.cmpi eq, %eq3A_64, %iota3A : vector<256x2048xi32>
    %convert_element_type3A_66 = arith.extui %eq3A_65 : vector<256x2048xi1> to vector<256x2048xi32>
    %convert_element_type3A_67 = arith.sitofp %convert_element_type3A_66 : vector<256x2048xi32> to vector<256x2048xf32>
    %add3A_68 = arith.addf %add3A_60, %convert_element_type3A_67 : vector<256x2048xf32>
    %get3A_69 = arith.constant 9 : index
    %get3A_70 = arith.constant 0 : index
    %get3A_71 = vector.load %arg3[%get3A_69, %get3A_70] : memref<16x2048xi32, #tpu.memory_space<vmem>>, vector<1x2048xi32>
    %eq3A_72 = vector.broadcast %get3A_71 : vector<1x2048xi32> to vector<256x2048xi32>
    %eq3A_73 = arith.cmpi eq, %eq3A_72, %iota3A : vector<256x2048xi32>
    %convert_element_type3A_74 = arith.extui %eq3A_73 : vector<256x2048xi1> to vector<256x2048xi32>
    %convert_element_type3A_75 = arith.sitofp %convert_element_type3A_74 : vector<256x2048xi32> to vector<256x2048xf32>
    %add3A_76 = arith.addf %add3A_68, %convert_element_type3A_75 : vector<256x2048xf32>
    %get3A_77 = arith.constant 10 : index
    %get3A_78 = arith.constant 0 : index
    %get3A_79 = vector.load %arg3[%get3A_77, %get3A_78] : memref<16x2048xi32, #tpu.memory_space<vmem>>, vector<1x2048xi32>
    %eq3A_80 = vector.broadcast %get3A_79 : vector<1x2048xi32> to vector<256x2048xi32>
    %eq3A_81 = arith.cmpi eq, %eq3A_80, %iota3A : vector<256x2048xi32>
    %convert_element_type3A_82 = arith.extui %eq3A_81 : vector<256x2048xi1> to vector<256x2048xi32>
    %convert_element_type3A_83 = arith.sitofp %convert_element_type3A_82 : vector<256x2048xi32> to vector<256x2048xf32>
    %add3A_84 = arith.addf %add3A_76, %convert_element_type3A_83 : vector<256x2048xf32>
    %get3A_85 = arith.constant 11 : index
    %get3A_86 = arith.constant 0 : index
    %get3A_87 = vector.load %arg3[%get3A_85, %get3A_86] : memref<16x2048xi32, #tpu.memory_space<vmem>>, vector<1x2048xi32>
    %eq3A_88 = vector.broadcast %get3A_87 : vector<1x2048xi32> to vector<256x2048xi32>
    %eq3A_89 = arith.cmpi eq, %eq3A_88, %iota3A : vector<256x2048xi32>
    %convert_element_type3A_90 = arith.extui %eq3A_89 : vector<256x2048xi1> to vector<256x2048xi32>
    %convert_element_type3A_91 = arith.sitofp %convert_element_type3A_90 : vector<256x2048xi32> to vector<256x2048xf32>
    %add3A_92 = arith.addf %add3A_84, %convert_element_type3A_91 : vector<256x2048xf32>
    %get3A_93 = arith.constant 12 : index
    %get3A_94 = arith.constant 0 : index
    %get3A_95 = vector.load %arg3[%get3A_93, %get3A_94] : memref<16x2048xi32, #tpu.memory_space<vmem>>, vector<1x2048xi32>
    %eq3A_96 = vector.broadcast %get3A_95 : vector<1x2048xi32> to vector<256x2048xi32>
    %eq3A_97 = arith.cmpi eq, %eq3A_96, %iota3A : vector<256x2048xi32>
    %convert_element_type3A_98 = arith.extui %eq3A_97 : vector<256x2048xi1> to vector<256x2048xi32>
    %convert_element_type3A_99 = arith.sitofp %convert_element_type3A_98 : vector<256x2048xi32> to vector<256x2048xf32>
    %add3A_100 = arith.addf %add3A_92, %convert_element_type3A_99 : vector<256x2048xf32>
    %get3A_101 = arith.constant 13 : index
    %get3A_102 = arith.constant 0 : index
    %get3A_103 = vector.load %arg3[%get3A_101, %get3A_102] : memref<16x2048xi32, #tpu.memory_space<vmem>>, vector<1x2048xi32>
    %eq3A_104 = vector.broadcast %get3A_103 : vector<1x2048xi32> to vector<256x2048xi32>
    %eq3A_105 = arith.cmpi eq, %eq3A_104, %iota3A : vector<256x2048xi32>
    %convert_element_type3A_106 = arith.extui %eq3A_105 : vector<256x2048xi1> to vector<256x2048xi32>
    %convert_element_type3A_107 = arith.sitofp %convert_element_type3A_106 : vector<256x2048xi32> to vector<256x2048xf32>
    %add3A_108 = arith.addf %add3A_100, %convert_element_type3A_107 : vector<256x2048xf32>
    %get3A_109 = arith.constant 14 : index
    %get3A_110 = arith.constant 0 : index
    %get3A_111 = vector.load %arg3[%get3A_109, %get3A_110] : memref<16x2048xi32, #tpu.memory_space<vmem>>, vector<1x2048xi32>
    %eq3A_112 = vector.broadcast %get3A_111 : vector<1x2048xi32> to vector<256x2048xi32>
    %eq3A_113 = arith.cmpi eq, %eq3A_112, %iota3A : vector<256x2048xi32>
    %convert_element_type3A_114 = arith.extui %eq3A_113 : vector<256x2048xi1> to vector<256x2048xi32>
    %convert_element_type3A_115 = arith.sitofp %convert_element_type3A_114 : vector<256x2048xi32> to vector<256x2048xf32>
    %add3A_116 = arith.addf %add3A_108, %convert_element_type3A_115 : vector<256x2048xf32>
    %get3A_117 = arith.constant 15 : index
    %get3A_118 = arith.constant 0 : index
    %get3A_119 = vector.load %arg3[%get3A_117, %get3A_118] : memref<16x2048xi32, #tpu.memory_space<vmem>>, vector<1x2048xi32>
    %eq3A_120 = vector.broadcast %get3A_119 : vector<1x2048xi32> to vector<256x2048xi32>
    %eq3A_121 = arith.cmpi eq, %eq3A_120, %iota3A : vector<256x2048xi32>
    %convert_element_type3A_122 = arith.extui %eq3A_121 : vector<256x2048xi1> to vector<256x2048xi32>
    %convert_element_type3A_123 = arith.sitofp %convert_element_type3A_122 : vector<256x2048xi32> to vector<256x2048xf32>
    %add3A_124 = arith.addf %add3A_116, %convert_element_type3A_123 : vector<256x2048xf32>
    %get3A_125 = arith.constant 0 : index
    %get3A_126 = arith.constant 0 : index
    %get3A_127 = vector.load %arg6[%get3A_125, %get3A_126] : memref<256x1024xf32, #tpu.memory_space<vmem>>, vector<256x1024xf32>
    %dot_general3A = arith.constant dense<0.000000e+00> : vector<2048x1024xf32>
    %dot_general3A_128 = tpu.matmul %add3A_124, %get3A_127, %dot_general3A {dimension_numbers = #tpu.dot_dimension_numbers<[0], [0], [1], [1], [0, 1, 1, 1], [], []>, transpose_lhs_hint = false} : vector<256x2048xf32>, vector<256x1024xf32>, vector<2048x1024xf32> -> vector<2048x1024xf32>
    %get3A_129 = arith.constant 0 : index
    %get3A_130 = arith.constant 0 : index
    %get3A_131 = vector.load %arg4[%get3A_129, %get3A_130] : memref<2048x1024xf32, #tpu.memory_space<vmem>>, vector<2048x1024xf32>
    %get3A_132 = arith.constant 0 : index
    %get3A_133 = arith.constant 0 : index
    %get3A_134 = vector.load %arg5[%get3A_132, %get3A_133] : memref<2048x1024xbf16, #tpu.memory_space<vmem>>, vector<2048x1024xbf16>
    %convert_element_type3A_135 = arith.extf %get3A_134 : vector<2048x1024xbf16> to vector<2048x1024xf32>
    %add3A_136 = arith.addf %get3A_131, %convert_element_type3A_135 : vector<2048x1024xf32>
    %add3A_137 = arith.addf %add3A_136, %dot_general3A_128 : vector<2048x1024xf32>
    %swap3A = arith.constant 0 : index
    %swap3A_138 = arith.constant 0 : index
    %swap3A_139 = vector.load %arg7[%swap3A, %swap3A_138] : memref<2048x1024xf32, #tpu.memory_space<vmem>>, vector<2048x1024xf32>
    tpu.vector_store %arg7[%swap3A, %swap3A_138], %add3A_137 {strides = array<i32>} : memref<2048x1024xf32, #tpu.memory_space<vmem>>, vector<2048x1024xf32>,
    return
  }
  func.func @transform_1(%arg0: i32, %arg1: i32) -> (i32, i32) {
    %mul3A = arith.constant 1 : i32
    %mul3A_0 = arith.muli %arg1, %mul3A : i32
    %add3A = arith.addi %mul3A_0, %arg0 : i32
    %c0_i32 = arith.constant 0 : i32
    %c0_i32_1 = arith.constant 0 : i32
    return %c0_i32, %add3A : i32, i32
  }
  func.func @transform_2(%arg0: i32, %arg1: i32) -> (i32, i32) {
    %mul3A = arith.constant 1 : i32
    %mul3A_0 = arith.muli %arg1, %mul3A : i32
    %add3A = arith.addi %mul3A_0, %arg0 : i32
    %c0_i32 = arith.constant 0 : i32
    %c0_i32_1 = arith.constant 0 : i32
    return %add3A, %c0_i32 : i32, i32
  }
  func.func @transform_3(%arg0: i32, %arg1: i32) -> (i32, i32) {
    %c0_i32 = arith.constant 0 : i32
    %c0_i32_0 = arith.constant 0 : i32
    return %arg0, %c0_i32 : i32, i32
  }
  func.func @transform_4(%arg0: i32, %arg1: i32) -> (i32, i32) {
    %c0_i32 = arith.constant 0 : i32
    %c0_i32_0 = arith.constant 0 : i32
    %c0_i32_1 = arith.constant 0 : i32
    return %c0_i32, %c0_i32_0 : i32, i32
  }
  func.func @transform_5(%arg0: i32, %arg1: i32) -> (i32, i32) {
    %add3A = arith.constant 1 : i32
    %add3A_0 = arith.addi %add3A, %arg1 : i32
    %mul3A = arith.constant 1 : i32
    %mul3A_1 = arith.muli %add3A_0, %mul3A : i32
    %add3A_2 = arith.addi %mul3A_1, %arg0 : i32
    %c0_i32 = arith.constant 0 : i32
    %c0_i32_3 = arith.constant 0 : i32
    return %add3A_2, %c0_i32 : i32, i32
  }
}

module attributes {stable_mosaic.version = 14 : i64} {
  func.func @_lambda_(%arg0: i32, %arg1: i32, %arg2: memref<8192x1024xf32, #tpu.memory_space<any>>, %arg3: memref<16x2048xi32, #tpu.memory_space<vmem>>, %arg4: memref<2048x1024xf32, #tpu.memory_space<vmem>>, %arg5: memref<2048x1024xbf16, #tpu.memory_space<vmem>>, %arg6: memref<256x1024xf32, #tpu.memory_space<vmem>>, %arg7: memref<2048x1024xf32, #tpu.memory_space<vmem>>) attributes {dimension_semantics = [#tpu.dimension_semantics<arbitrary>, #tpu.dimension_semantics<arbitrary>], iteration_bounds = array<i64: 1, 1>, scalar_prefetch = 0 : i64, scratch_operands = 0 : i64, tpu.core_type = #tpu.core_type<tc>, window_params = [{}, {transform_indices = @transform_1, window_bounds = array<i64: 16, 2048>}, {transform_indices = @transform_2, window_bounds = array<i64: 2048, 1024>}, {transform_indices = @transform_3, window_bounds = array<i64: 2048, 1024>}, {pipeline_mode = #tpu.pipeline_mode<synchronous>, transform_indices = @transform_4, window_bounds = array<i64: 256, 1024>}, {transform_indices = @transform_5, window_bounds = array<i64: 2048, 1024>}]} {
    %iota3A = tpu.iota {dimensions = array<i32: 0>} : vector<256x2048xi32>
    %broadcast_in_dim3A = arith.constant 0.000000e+00 : f32
    %broadcast_in_dim3A_0 = vector.broadcast %broadcast_in_dim3A : f32 to vector<256x2048xf32>
    %get3A = arith.constant 0 : index
    %get3A_1 = arith.constant 0 : index
    %get3A_2 = vector.load %arg3[%get3A, %get3A_1] : memref<16x2048xi32, #tpu.memory_space<vmem>>, vector<1x2048xi32>
    %eq3A = vector.broadcast %get3A_2 : vector<1x2048xi32> to vector<256x2048xi32>
    %eq3A_3 = arith.cmpi eq, %eq3A, %iota3A : vector<256x2048xi32>
    %convert_element_type3A = arith.extui %eq3A_3 : vector<256x2048xi1> to vector<256x2048xi32>
    %convert_element_type3A_4 = arith.sitofp %convert_element_type3A : vector<256x2048xi32> to vector<256x2048xf32>
    %add3A = arith.addf %broadcast_in_dim3A_0, %convert_element_type3A_4 : vector<256x2048xf32>
    %get3A_5 = arith.constant 1 : index
    %get3A_6 = arith.constant 0 : index
    %get3A_7 = vector.load %arg3[%get3A_5, %get3A_6] : memref<16x2048xi32, #tpu.memory_space<vmem>>, vector<1x2048xi32>
    %eq3A_8 = vector.broadcast %get3A_7 : vector<1x2048xi32> to vector<256x2048xi32>
    %eq3A_9 = arith.cmpi eq, %eq3A_8, %iota3A : vector<256x2048xi32>
    %convert_element_type3A_10 = arith.extui %eq3A_9 : vector<256x2048xi1> to vector<256x2048xi32>
    %convert_element_type3A_11 = arith.sitofp %convert_element_type3A_10 : vector<256x2048xi32> to vector<256x2048xf32>
    %add3A_12 = arith.addf %add3A, %convert_element_type3A_11 : vector<256x2048xf32>
    %get3A_13 = arith.constant 2 : index
    %get3A_14 = arith.constant 0 : index
    %get3A_15 = vector.load %arg3[%get3A_13, %get3A_14] : memref<16x2048xi32, #tpu.memory_space<vmem>>, vector<1x2048xi32>
    %eq3A_16 = vector.broadcast %get3A_15 : vector<1x2048xi32> to vector<256x2048xi32>
    %eq3A_17 = arith.cmpi eq, %eq3A_16, %iota3A : vector<256x2048xi32>
    %convert_element_type3A_18 = arith.extui %eq3A_17 : vector<256x2048xi1> to vector<256x2048xi32>
    %convert_element_type3A_19 = arith.sitofp %convert_element_type3A_18 : vector<256x2048xi32> to vector<256x2048xf32>
    %add3A_20 = arith.addf %add3A_12, %convert_element_type3A_19 : vector<256x2048xf32>
    %get3A_21 = arith.constant 3 : index
    %get3A_22 = arith.constant 0 : index
    %get3A_23 = vector.load %arg3[%get3A_21, %get3A_22] : memref<16x2048xi32, #tpu.memory_space<vmem>>, vector<1x2048xi32>
    %eq3A_24 = vector.broadcast %get3A_23 : vector<1x2048xi32> to vector<256x2048xi32>
    %eq3A_25 = arith.cmpi eq, %eq3A_24, %iota3A : vector<256x2048xi32>
    %convert_element_type3A_26 = arith.extui %eq3A_25 : vector<256x2048xi1> to vector<256x2048xi32>
    %convert_element_type3A_27 = arith.sitofp %convert_element_type3A_26 : vector<256x2048xi32> to vector<256x2048xf32>
    %add3A_28 = arith.addf %add3A_20, %convert_element_type3A_27 : vector<256x2048xf32>
    %get3A_29 = arith.constant 4 : index
    %get3A_30 = arith.constant 0 : index
    %get3A_31 = vector.load %arg3[%get3A_29, %get3A_30] : memref<16x2048xi32, #tpu.memory_space<vmem>>, vector<1x2048xi32>
    %eq3A_32 = vector.broadcast %get3A_31 : vector<1x2048xi32> to vector<256x2048xi32>
    %eq3A_33 = arith.cmpi eq, %eq3A_32, %iota3A : vector<256x2048xi32>
    %convert_element_type3A_34 = arith.extui %eq3A_33 : vector<256x2048xi1> to vector<256x2048xi32>
    %convert_element_type3A_35 = arith.sitofp %convert_element_type3A_34 : vector<256x2048xi32> to vector<256x2048xf32>
    %add3A_36 = arith.addf %add3A_28, %convert_element_type3A_35 : vector<256x2048xf32>
    %get3A_37 = arith.constant 5 : index
    %get3A_38 = arith.constant 0 : index
    %get3A_39 = vector.load %arg3[%get3A_37, %get3A_38] : memref<16x2048xi32, #tpu.memory_space<vmem>>, vector<1x2048xi32>
    %eq3A_40 = vector.broadcast %get3A_39 : vector<1x2048xi32> to vector<256x2048xi32>
    %eq3A_41 = arith.cmpi eq, %eq3A_40, %iota3A : vector<256x2048xi32>
    %convert_element_type3A_42 = arith.extui %eq3A_41 : vector<256x2048xi1> to vector<256x2048xi32>
    %convert_element_type3A_43 = arith.sitofp %convert_element_type3A_42 : vector<256x2048xi32> to vector<256x2048xf32>
    %add3A_44 = arith.addf %add3A_36, %convert_element_type3A_43 : vector<256x2048xf32>
    %get3A_45 = arith.constant 6 : index
    %get3A_46 = arith.constant 0 : index
    %get3A_47 = vector.load %arg3[%get3A_45, %get3A_46] : memref<16x2048xi32, #tpu.memory_space<vmem>>, vector<1x2048xi32>
    %eq3A_48 = vector.broadcast %get3A_47 : vector<1x2048xi32> to vector<256x2048xi32>
    %eq3A_49 = arith.cmpi eq, %eq3A_48, %iota3A : vector<256x2048xi32>
    %convert_element_type3A_50 = arith.extui %eq3A_49 : vector<256x2048xi1> to vector<256x2048xi32>
    %convert_element_type3A_51 = arith.sitofp %convert_element_type3A_50 : vector<256x2048xi32> to vector<256x2048xf32>
    %add3A_52 = arith.addf %add3A_44, %convert_element_type3A_51 : vector<256x2048xf32>
    %get3A_53 = arith.constant 7 : index
    %get3A_54 = arith.constant 0 : index
    %get3A_55 = vector.load %arg3[%get3A_53, %get3A_54] : memref<16x2048xi32, #tpu.memory_space<vmem>>, vector<1x2048xi32>
    %eq3A_56 = vector.broadcast %get3A_55 : vector<1x2048xi32> to vector<256x2048xi32>
    %eq3A_57 = arith.cmpi eq, %eq3A_56, %iota3A : vector<256x2048xi32>
    %convert_element_type3A_58 = arith.extui %eq3A_57 : vector<256x2048xi1> to vector<256x2048xi32>
    %convert_element_type3A_59 = arith.sitofp %convert_element_type3A_58 : vector<256x2048xi32> to vector<256x2048xf32>
    %add3A_60 = arith.addf %add3A_52, %convert_element_type3A_59 : vector<256x2048xf32>
    %get3A_61 = arith.constant 8 : index
    %get3A_62 = arith.constant 0 : index
    %get3A_63 = vector.load %arg3[%get3A_61, %get3A_62] : memref<16x2048xi32, #tpu.memory_space<vmem>>, vector<1x2048xi32>
    %eq3A_64 = vector.broadcast %get3A_63 : vector<1x2048xi32> to vector<256x2048xi32>
    %eq3A_65 = arith.cmpi eq, %eq3A_64, %iota3A : vector<256x2048xi32>
    %convert_element_type3A_66 = arith.extui %eq3A_65 : vector<256x2048xi1> to vector<256x2048xi32>
    %convert_element_type3A_67 = arith.sitofp %convert_element_type3A_66 : vector<256x2048xi32> to vector<256x2048xf32>
    %add3A_68 = arith.addf %add3A_60, %convert_element_type3A_67 : vector<256x2048xf32>
    %get3A_69 = arith.constant 9 : index
    %get3A_70 = arith.constant 0 : index
    %get3A_71 = vector.load %arg3[%get3A_69, %get3A_70] : memref<16x2048xi32, #tpu.memory_space<vmem>>, vector<1x2048xi32>
    %eq3A_72 = vector.broadcast %get3A_71 : vector<1x2048xi32> to vector<256x2048xi32>
    %eq3A_73 = arith.cmpi eq, %eq3A_72, %iota3A : vector<256x2048xi32>
    %convert_element_type3A_74 = arith.extui %eq3A_73 : vector<256x2048xi1> to vector<256x2048xi32>
    %convert_element_type3A_75 = arith.sitofp %convert_element_type3A_74 : vector<256x2048xi32> to vector<256x2048xf32>
    %add3A_76 = arith.addf %add3A_68, %convert_element_type3A_75 : vector<256x2048xf32>
    %get3A_77 = arith.constant 10 : index
    %get3A_78 = arith.constant 0 : index
    %get3A_79 = vector.load %arg3[%get3A_77, %get3A_78] : memref<16x2048xi32, #tpu.memory_space<vmem>>, vector<1x2048xi32>
    %eq3A_80 = vector.broadcast %get3A_79 : vector<1x2048xi32> to vector<256x2048xi32>
    %eq3A_81 = arith.cmpi eq, %eq3A_80, %iota3A : vector<256x2048xi32>
    %convert_element_type3A_82 = arith.extui %eq3A_81 : vector<256x2048xi1> to vector<256x2048xi32>
    %convert_element_type3A_83 = arith.sitofp %convert_element_type3A_82 : vector<256x2048xi32> to vector<256x2048xf32>
    %add3A_84 = arith.addf %add3A_76, %convert_element_type3A_83 : vector<256x2048xf32>
    %get3A_85 = arith.constant 11 : index
    %get3A_86 = arith.constant 0 : index
    %get3A_87 = vector.load %arg3[%get3A_85, %get3A_86] : memref<16x2048xi32, #tpu.memory_space<vmem>>, vector<1x2048xi32>
    %eq3A_88 = vector.broadcast %get3A_87 : vector<1x2048xi32> to vector<256x2048xi32>
    %eq3A_89 = arith.cmpi eq, %eq3A_88, %iota3A : vector<256x2048xi32>
    %convert_element_type3A_90 = arith.extui %eq3A_89 : vector<256x2048xi1> to vector<256x2048xi32>
    %convert_element_type3A_91 = arith.sitofp %convert_element_type3A_90 : vector<256x2048xi32> to vector<256x2048xf32>
    %add3A_92 = arith.addf %add3A_84, %convert_element_type3A_91 : vector<256x2048xf32>
    %get3A_93 = arith.constant 12 : index
    %get3A_94 = arith.constant 0 : index
    %get3A_95 = vector.load %arg3[%get3A_93, %get3A_94] : memref<16x2048xi32, #tpu.memory_space<vmem>>, vector<1x2048xi32>
    %eq3A_96 = vector.broadcast %get3A_95 : vector<1x2048xi32> to vector<256x2048xi32>
    %eq3A_97 = arith.cmpi eq, %eq3A_96, %iota3A : vector<256x2048xi32>
    %convert_element_type3A_98 = arith.extui %eq3A_97 : vector<256x2048xi1> to vector<256x2048xi32>
    %convert_element_type3A_99 = arith.sitofp %convert_element_type3A_98 : vector<256x2048xi32> to vector<256x2048xf32>
    %add3A_100 = arith.addf %add3A_92, %convert_element_type3A_99 : vector<256x2048xf32>
    %get3A_101 = arith.constant 13 : index
    %get3A_102 = arith.constant 0 : index
    %get3A_103 = vector.load %arg3[%get3A_101, %get3A_102] : memref<16x2048xi32, #tpu.memory_space<vmem>>, vector<1x2048xi32>
    %eq3A_104 = vector.broadcast %get3A_103 : vector<1x2048xi32> to vector<256x2048xi32>
    %eq3A_105 = arith.cmpi eq, %eq3A_104, %iota3A : vector<256x2048xi32>
    %convert_element_type3A_106 = arith.extui %eq3A_105 : vector<256x2048xi1> to vector<256x2048xi32>
    %convert_element_type3A_107 = arith.sitofp %convert_element_type3A_106 : vector<256x2048xi32> to vector<256x2048xf32>
    %add3A_108 = arith.addf %add3A_100, %convert_element_type3A_107 : vector<256x2048xf32>
    %get3A_109 = arith.constant 14 : index
    %get3A_110 = arith.constant 0 : index
    %get3A_111 = vector.load %arg3[%get3A_109, %get3A_110] : memref<16x2048xi32, #tpu.memory_space<vmem>>, vector<1x2048xi32>
    %eq3A_112 = vector.broadcast %get3A_111 : vector<1x2048xi32> to vector<256x2048xi32>
    %eq3A_113 = arith.cmpi eq, %eq3A_112, %iota3A : vector<256x2048xi32>
    %convert_element_type3A_114 = arith.extui %eq3A_113 : vector<256x2048xi1> to vector<256x2048xi32>
    %convert_element_type3A_115 = arith.sitofp %convert_element_type3A_114 : vector<256x2048xi32> to vector<256x2048xf32>
    %add3A_116 = arith.addf %add3A_108, %convert_element_type3A_115 : vector<256x2048xf32>
    %get3A_117 = arith.constant 15 : index
    %get3A_118 = arith.constant 0 : index
    %get3A_119 = vector.load %arg3[%get3A_117, %get3A_118] : memref<16x2048xi32, #tpu.memory_space<vmem>>, vector<1x2048xi32>
    %eq3A_120 = vector.broadcast %get3A_119 : vector<1x2048xi32> to vector<256x2048xi32>
    %eq3A_121 = arith.cmpi eq, %eq3A_120, %iota3A : vector<256x2048xi32>
    %convert_element_type3A_122 = arith.extui %eq3A_121 : vector<256x2048xi1> to vector<256x2048xi32>
    %convert_element_type3A_123 = arith.sitofp %convert_element_type3A_122 : vector<256x2048xi32> to vector<256x2048xf32>
    %add3A_124 = arith.addf %add3A_116, %convert_element_type3A_123 : vector<256x2048xf32>
    %get3A_125 = arith.constant 0 : index
    %get3A_126 = arith.constant 0 : index
    %get3A_127 = vector.load %arg6[%get3A_125, %get3A_126] : memref<256x1024xf32, #tpu.memory_space<vmem>>, vector<256x1024xf32>
    %dot_general3A = arith.constant dense<0.000000e+00> : vector<2048x1024xf32>
    %dot_general3A_128 = tpu.matmul %add3A_124, %get3A_127, %dot_general3A {dimension_numbers = #tpu.dot_dimension_numbers<[0], [0], [1], [1], [0, 1, 1, 1], [], []>, transpose_lhs_hint = false} : vector<256x2048xf32>, vector<256x1024xf32>, vector<2048x1024xf32> -> vector<2048x1024xf32>
    %get3A_129 = arith.constant 0 : index
    %get3A_130 = arith.constant 0 : index
    %get3A_131 = vector.load %arg4[%get3A_129, %get3A_130] : memref<2048x1024xf32, #tpu.memory_space<vmem>>, vector<2048x1024xf32>
    %get3A_132 = arith.constant 0 : index
    %get3A_133 = arith.constant 0 : index
    %get3A_134 = vector.load %arg5[%get3A_132, %get3A_133] : memref<2048x1024xbf16, #tpu.memory_space<vmem>>, vector<2048x1024xbf16>
    %convert_element_type3A_135 = arith.extf %get3A_134 : vector<2048x1024xbf16> to vector<2048x1024xf32>
    %add3A_136 = arith.addf %get3A_131, %convert_element_type3A_135 : vector<2048x1024xf32>
    %add3A_137 = arith.addf %add3A_136, %dot_general3A_128 : vector<2048x1024xf32>
    %swap3A = arith.constant 0 : index
    %swap3A_138 = arith.constant 0 : index
    %swap3A_139 = vector.load %arg7[%swap3A, %swap3A_138] : memref<2048x1024xf32, #tpu.memory_space<vmem>>, vector<2048x1024xf32>
    tpu.vector_store %arg7[%swap3A, %swap3A_138], %add3A_137 {strides = array<i32>} : memref<2048x1024xf32, #tpu.memory_space<vmem>>, vector<2048x1024xf32>,
    return
  }
  func.func @transform_1(%arg0: i32, %arg1: i32) -> (i32, i32) {
    %mul3A = arith.constant 1 : i32
    %mul3A_0 = arith.muli %arg1, %mul3A : i32
    %add3A = arith.addi %mul3A_0, %arg0 : i32
    %c0_i32 = arith.constant 0 : i32
    %c0_i32_1 = arith.constant 0 : i32
    return %c0_i32, %add3A : i32, i32
  }
  func.func @transform_2(%arg0: i32, %arg1: i32) -> (i32, i32) {
    %mul3A = arith.constant 1 : i32
    %mul3A_0 = arith.muli %arg1, %mul3A : i32
    %add3A = arith.addi %mul3A_0, %arg0 : i32
    %c0_i32 = arith.constant 0 : i32
    %c0_i32_1 = arith.constant 0 : i32
    return %add3A, %c0_i32 : i32, i32
  }
  func.func @transform_3(%arg0: i32, %arg1: i32) -> (i32, i32) {
    %c0_i32 = arith.constant 0 : i32
    %c0_i32_0 = arith.constant 0 : i32
    return %arg0, %c0_i32 : i32, i32
  }
  func.func @transform_4(%arg0: i32, %arg1: i32) -> (i32, i32) {
    %c0_i32 = arith.constant 0 : i32
    %c0_i32_0 = arith.constant 0 : i32
    %c0_i32_1 = arith.constant 0 : i32
    return %c0_i32, %c0_i32_0 : i32, i32
  }
  func.func @transform_5(%arg0: i32, %arg1: i32) -> (i32, i32) {
    %add3A = arith.constant 3 : i32
    %add3A_0 = arith.addi %add3A, %arg1 : i32
    %mul3A = arith.constant 1 : i32
    %mul3A_1 = arith.muli %add3A_0, %mul3A : i32
    %add3A_2 = arith.addi %mul3A_1, %arg0 : i32
    %c0_i32 = arith.constant 0 : i32
    %c0_i32_3 = arith.constant 0 : i32
    return %add3A_2, %c0_i32 : i32, i32
  }
}

module attributes {stable_mosaic.version = 14 : i64} {
  func.func @_tc_combine_body(%arg0: i32, %arg1: i32, %arg2: memref<16x2048xi32, #tpu.memory_space<vmem>>, %arg3: memref<2048x1024xf32, #tpu.memory_space<vmem>>, %arg4: memref<2048x1024xbf16, #tpu.memory_space<vmem>>, %arg5: memref<256x1024xf32, #tpu.memory_space<vmem>>, %arg6: memref<2048x1024xf32, #tpu.memory_space<vmem>>) attributes {dimension_semantics = [#tpu.dimension_semantics<arbitrary>, #tpu.dimension_semantics<arbitrary>], iteration_bounds = array<i64: 1, 1>, scalar_prefetch = 0 : i64, scratch_operands = 0 : i64, tpu.core_type = #tpu.core_type<tc>, window_params = [{transform_indices = @transform_0, window_bounds = array<i64: 16, 2048>}, {transform_indices = @transform_1, window_bounds = array<i64: 2048, 1024>}, {transform_indices = @transform_2, window_bounds = array<i64: 2048, 1024>}, {pipeline_mode = #tpu.pipeline_mode<synchronous>, transform_indices = @transform_3, window_bounds = array<i64: 256, 1024>}, {transform_indices = @transform_4, window_bounds = array<i64: 2048, 1024>}]} {
    %iota3A = tpu.iota {dimensions = array<i32: 0>} : vector<256x2048xi32>
    %broadcast_in_dim3A = arith.constant 0.000000e+00 : f32
    %broadcast_in_dim3A_0 = vector.broadcast %broadcast_in_dim3A : f32 to vector<256x2048xf32>
    %get3A = arith.constant 0 : index
    %get3A_1 = arith.constant 0 : index
    %get3A_2 = vector.load %arg2[%get3A, %get3A_1] : memref<16x2048xi32, #tpu.memory_space<vmem>>, vector<1x2048xi32>
    %eq3A = vector.broadcast %get3A_2 : vector<1x2048xi32> to vector<256x2048xi32>
    %eq3A_3 = arith.cmpi eq, %eq3A, %iota3A : vector<256x2048xi32>
    %convert_element_type3A = arith.extui %eq3A_3 : vector<256x2048xi1> to vector<256x2048xi32>
    %convert_element_type3A_4 = arith.sitofp %convert_element_type3A : vector<256x2048xi32> to vector<256x2048xf32>
    %add3A = arith.addf %broadcast_in_dim3A_0, %convert_element_type3A_4 : vector<256x2048xf32>
    %get3A_5 = arith.constant 1 : index
    %get3A_6 = arith.constant 0 : index
    %get3A_7 = vector.load %arg2[%get3A_5, %get3A_6] : memref<16x2048xi32, #tpu.memory_space<vmem>>, vector<1x2048xi32>
    %eq3A_8 = vector.broadcast %get3A_7 : vector<1x2048xi32> to vector<256x2048xi32>
    %eq3A_9 = arith.cmpi eq, %eq3A_8, %iota3A : vector<256x2048xi32>
    %convert_element_type3A_10 = arith.extui %eq3A_9 : vector<256x2048xi1> to vector<256x2048xi32>
    %convert_element_type3A_11 = arith.sitofp %convert_element_type3A_10 : vector<256x2048xi32> to vector<256x2048xf32>
    %add3A_12 = arith.addf %add3A, %convert_element_type3A_11 : vector<256x2048xf32>
    %get3A_13 = arith.constant 2 : index
    %get3A_14 = arith.constant 0 : index
    %get3A_15 = vector.load %arg2[%get3A_13, %get3A_14] : memref<16x2048xi32, #tpu.memory_space<vmem>>, vector<1x2048xi32>
    %eq3A_16 = vector.broadcast %get3A_15 : vector<1x2048xi32> to vector<256x2048xi32>
    %eq3A_17 = arith.cmpi eq, %eq3A_16, %iota3A : vector<256x2048xi32>
    %convert_element_type3A_18 = arith.extui %eq3A_17 : vector<256x2048xi1> to vector<256x2048xi32>
    %convert_element_type3A_19 = arith.sitofp %convert_element_type3A_18 : vector<256x2048xi32> to vector<256x2048xf32>
    %add3A_20 = arith.addf %add3A_12, %convert_element_type3A_19 : vector<256x2048xf32>
    %get3A_21 = arith.constant 3 : index
    %get3A_22 = arith.constant 0 : index
    %get3A_23 = vector.load %arg2[%get3A_21, %get3A_22] : memref<16x2048xi32, #tpu.memory_space<vmem>>, vector<1x2048xi32>
    %eq3A_24 = vector.broadcast %get3A_23 : vector<1x2048xi32> to vector<256x2048xi32>
    %eq3A_25 = arith.cmpi eq, %eq3A_24, %iota3A : vector<256x2048xi32>
    %convert_element_type3A_26 = arith.extui %eq3A_25 : vector<256x2048xi1> to vector<256x2048xi32>
    %convert_element_type3A_27 = arith.sitofp %convert_element_type3A_26 : vector<256x2048xi32> to vector<256x2048xf32>
    %add3A_28 = arith.addf %add3A_20, %convert_element_type3A_27 : vector<256x2048xf32>
    %get3A_29 = arith.constant 4 : index
    %get3A_30 = arith.constant 0 : index
    %get3A_31 = vector.load %arg2[%get3A_29, %get3A_30] : memref<16x2048xi32, #tpu.memory_space<vmem>>, vector<1x2048xi32>
    %eq3A_32 = vector.broadcast %get3A_31 : vector<1x2048xi32> to vector<256x2048xi32>
    %eq3A_33 = arith.cmpi eq, %eq3A_32, %iota3A : vector<256x2048xi32>
    %convert_element_type3A_34 = arith.extui %eq3A_33 : vector<256x2048xi1> to vector<256x2048xi32>
    %convert_element_type3A_35 = arith.sitofp %convert_element_type3A_34 : vector<256x2048xi32> to vector<256x2048xf32>
    %add3A_36 = arith.addf %add3A_28, %convert_element_type3A_35 : vector<256x2048xf32>
    %get3A_37 = arith.constant 5 : index
    %get3A_38 = arith.constant 0 : index
    %get3A_39 = vector.load %arg2[%get3A_37, %get3A_38] : memref<16x2048xi32, #tpu.memory_space<vmem>>, vector<1x2048xi32>
    %eq3A_40 = vector.broadcast %get3A_39 : vector<1x2048xi32> to vector<256x2048xi32>
    %eq3A_41 = arith.cmpi eq, %eq3A_40, %iota3A : vector<256x2048xi32>
    %convert_element_type3A_42 = arith.extui %eq3A_41 : vector<256x2048xi1> to vector<256x2048xi32>
    %convert_element_type3A_43 = arith.sitofp %convert_element_type3A_42 : vector<256x2048xi32> to vector<256x2048xf32>
    %add3A_44 = arith.addf %add3A_36, %convert_element_type3A_43 : vector<256x2048xf32>
    %get3A_45 = arith.constant 6 : index
    %get3A_46 = arith.constant 0 : index
    %get3A_47 = vector.load %arg2[%get3A_45, %get3A_46] : memref<16x2048xi32, #tpu.memory_space<vmem>>, vector<1x2048xi32>
    %eq3A_48 = vector.broadcast %get3A_47 : vector<1x2048xi32> to vector<256x2048xi32>
    %eq3A_49 = arith.cmpi eq, %eq3A_48, %iota3A : vector<256x2048xi32>
    %convert_element_type3A_50 = arith.extui %eq3A_49 : vector<256x2048xi1> to vector<256x2048xi32>
    %convert_element_type3A_51 = arith.sitofp %convert_element_type3A_50 : vector<256x2048xi32> to vector<256x2048xf32>
    %add3A_52 = arith.addf %add3A_44, %convert_element_type3A_51 : vector<256x2048xf32>
    %get3A_53 = arith.constant 7 : index
    %get3A_54 = arith.constant 0 : index
    %get3A_55 = vector.load %arg2[%get3A_53, %get3A_54] : memref<16x2048xi32, #tpu.memory_space<vmem>>, vector<1x2048xi32>
    %eq3A_56 = vector.broadcast %get3A_55 : vector<1x2048xi32> to vector<256x2048xi32>
    %eq3A_57 = arith.cmpi eq, %eq3A_56, %iota3A : vector<256x2048xi32>
    %convert_element_type3A_58 = arith.extui %eq3A_57 : vector<256x2048xi1> to vector<256x2048xi32>
    %convert_element_type3A_59 = arith.sitofp %convert_element_type3A_58 : vector<256x2048xi32> to vector<256x2048xf32>
    %add3A_60 = arith.addf %add3A_52, %convert_element_type3A_59 : vector<256x2048xf32>
    %get3A_61 = arith.constant 8 : index
    %get3A_62 = arith.constant 0 : index
    %get3A_63 = vector.load %arg2[%get3A_61, %get3A_62] : memref<16x2048xi32, #tpu.memory_space<vmem>>, vector<1x2048xi32>
    %eq3A_64 = vector.broadcast %get3A_63 : vector<1x2048xi32> to vector<256x2048xi32>
    %eq3A_65 = arith.cmpi eq, %eq3A_64, %iota3A : vector<256x2048xi32>
    %convert_element_type3A_66 = arith.extui %eq3A_65 : vector<256x2048xi1> to vector<256x2048xi32>
    %convert_element_type3A_67 = arith.sitofp %convert_element_type3A_66 : vector<256x2048xi32> to vector<256x2048xf32>
    %add3A_68 = arith.addf %add3A_60, %convert_element_type3A_67 : vector<256x2048xf32>
    %get3A_69 = arith.constant 9 : index
    %get3A_70 = arith.constant 0 : index
    %get3A_71 = vector.load %arg2[%get3A_69, %get3A_70] : memref<16x2048xi32, #tpu.memory_space<vmem>>, vector<1x2048xi32>
    %eq3A_72 = vector.broadcast %get3A_71 : vector<1x2048xi32> to vector<256x2048xi32>
    %eq3A_73 = arith.cmpi eq, %eq3A_72, %iota3A : vector<256x2048xi32>
    %convert_element_type3A_74 = arith.extui %eq3A_73 : vector<256x2048xi1> to vector<256x2048xi32>
    %convert_element_type3A_75 = arith.sitofp %convert_element_type3A_74 : vector<256x2048xi32> to vector<256x2048xf32>
    %add3A_76 = arith.addf %add3A_68, %convert_element_type3A_75 : vector<256x2048xf32>
    %get3A_77 = arith.constant 10 : index
    %get3A_78 = arith.constant 0 : index
    %get3A_79 = vector.load %arg2[%get3A_77, %get3A_78] : memref<16x2048xi32, #tpu.memory_space<vmem>>, vector<1x2048xi32>
    %eq3A_80 = vector.broadcast %get3A_79 : vector<1x2048xi32> to vector<256x2048xi32>
    %eq3A_81 = arith.cmpi eq, %eq3A_80, %iota3A : vector<256x2048xi32>
    %convert_element_type3A_82 = arith.extui %eq3A_81 : vector<256x2048xi1> to vector<256x2048xi32>
    %convert_element_type3A_83 = arith.sitofp %convert_element_type3A_82 : vector<256x2048xi32> to vector<256x2048xf32>
    %add3A_84 = arith.addf %add3A_76, %convert_element_type3A_83 : vector<256x2048xf32>
    %get3A_85 = arith.constant 11 : index
    %get3A_86 = arith.constant 0 : index
    %get3A_87 = vector.load %arg2[%get3A_85, %get3A_86] : memref<16x2048xi32, #tpu.memory_space<vmem>>, vector<1x2048xi32>
    %eq3A_88 = vector.broadcast %get3A_87 : vector<1x2048xi32> to vector<256x2048xi32>
    %eq3A_89 = arith.cmpi eq, %eq3A_88, %iota3A : vector<256x2048xi32>
    %convert_element_type3A_90 = arith.extui %eq3A_89 : vector<256x2048xi1> to vector<256x2048xi32>
    %convert_element_type3A_91 = arith.sitofp %convert_element_type3A_90 : vector<256x2048xi32> to vector<256x2048xf32>
    %add3A_92 = arith.addf %add3A_84, %convert_element_type3A_91 : vector<256x2048xf32>
    %get3A_93 = arith.constant 12 : index
    %get3A_94 = arith.constant 0 : index
    %get3A_95 = vector.load %arg2[%get3A_93, %get3A_94] : memref<16x2048xi32, #tpu.memory_space<vmem>>, vector<1x2048xi32>
    %eq3A_96 = vector.broadcast %get3A_95 : vector<1x2048xi32> to vector<256x2048xi32>
    %eq3A_97 = arith.cmpi eq, %eq3A_96, %iota3A : vector<256x2048xi32>
    %convert_element_type3A_98 = arith.extui %eq3A_97 : vector<256x2048xi1> to vector<256x2048xi32>
    %convert_element_type3A_99 = arith.sitofp %convert_element_type3A_98 : vector<256x2048xi32> to vector<256x2048xf32>
    %add3A_100 = arith.addf %add3A_92, %convert_element_type3A_99 : vector<256x2048xf32>
    %get3A_101 = arith.constant 13 : index
    %get3A_102 = arith.constant 0 : index
    %get3A_103 = vector.load %arg2[%get3A_101, %get3A_102] : memref<16x2048xi32, #tpu.memory_space<vmem>>, vector<1x2048xi32>
    %eq3A_104 = vector.broadcast %get3A_103 : vector<1x2048xi32> to vector<256x2048xi32>
    %eq3A_105 = arith.cmpi eq, %eq3A_104, %iota3A : vector<256x2048xi32>
    %convert_element_type3A_106 = arith.extui %eq3A_105 : vector<256x2048xi1> to vector<256x2048xi32>
    %convert_element_type3A_107 = arith.sitofp %convert_element_type3A_106 : vector<256x2048xi32> to vector<256x2048xf32>
    %add3A_108 = arith.addf %add3A_100, %convert_element_type3A_107 : vector<256x2048xf32>
    %get3A_109 = arith.constant 14 : index
    %get3A_110 = arith.constant 0 : index
    %get3A_111 = vector.load %arg2[%get3A_109, %get3A_110] : memref<16x2048xi32, #tpu.memory_space<vmem>>, vector<1x2048xi32>
    %eq3A_112 = vector.broadcast %get3A_111 : vector<1x2048xi32> to vector<256x2048xi32>
    %eq3A_113 = arith.cmpi eq, %eq3A_112, %iota3A : vector<256x2048xi32>
    %convert_element_type3A_114 = arith.extui %eq3A_113 : vector<256x2048xi1> to vector<256x2048xi32>
    %convert_element_type3A_115 = arith.sitofp %convert_element_type3A_114 : vector<256x2048xi32> to vector<256x2048xf32>
    %add3A_116 = arith.addf %add3A_108, %convert_element_type3A_115 : vector<256x2048xf32>
    %get3A_117 = arith.constant 15 : index
    %get3A_118 = arith.constant 0 : index
    %get3A_119 = vector.load %arg2[%get3A_117, %get3A_118] : memref<16x2048xi32, #tpu.memory_space<vmem>>, vector<1x2048xi32>
    %eq3A_120 = vector.broadcast %get3A_119 : vector<1x2048xi32> to vector<256x2048xi32>
    %eq3A_121 = arith.cmpi eq, %eq3A_120, %iota3A : vector<256x2048xi32>
    %convert_element_type3A_122 = arith.extui %eq3A_121 : vector<256x2048xi1> to vector<256x2048xi32>
    %convert_element_type3A_123 = arith.sitofp %convert_element_type3A_122 : vector<256x2048xi32> to vector<256x2048xf32>
    %add3A_124 = arith.addf %add3A_116, %convert_element_type3A_123 : vector<256x2048xf32>
    %get3A_125 = arith.constant 0 : index
    %get3A_126 = arith.constant 0 : index
    %get3A_127 = vector.load %arg5[%get3A_125, %get3A_126] : memref<256x1024xf32, #tpu.memory_space<vmem>>, vector<256x1024xf32>
    %dot_general3A = arith.constant dense<0.000000e+00> : vector<2048x1024xf32>
    %dot_general3A_128 = tpu.matmul %add3A_124, %get3A_127, %dot_general3A {dimension_numbers = #tpu.dot_dimension_numbers<[0], [0], [1], [1], [0, 1, 1, 1], [], []>, transpose_lhs_hint = false} : vector<256x2048xf32>, vector<256x1024xf32>, vector<2048x1024xf32> -> vector<2048x1024xf32>
    %get3A_129 = arith.constant 0 : index
    %get3A_130 = arith.constant 0 : index
    %get3A_131 = vector.load %arg3[%get3A_129, %get3A_130] : memref<2048x1024xf32, #tpu.memory_space<vmem>>, vector<2048x1024xf32>
    %get3A_132 = arith.constant 0 : index
    %get3A_133 = arith.constant 0 : index
    %get3A_134 = vector.load %arg4[%get3A_132, %get3A_133] : memref<2048x1024xbf16, #tpu.memory_space<vmem>>, vector<2048x1024xbf16>
    %convert_element_type3A_135 = arith.extf %get3A_134 : vector<2048x1024xbf16> to vector<2048x1024xf32>
    %add3A_136 = arith.addf %get3A_131, %convert_element_type3A_135 : vector<2048x1024xf32>
    %add3A_137 = arith.addf %add3A_136, %dot_general3A_128 : vector<2048x1024xf32>
    %swap3A = arith.constant 0 : index
    %swap3A_138 = arith.constant 0 : index
    %swap3A_139 = vector.load %arg6[%swap3A, %swap3A_138] : memref<2048x1024xf32, #tpu.memory_space<vmem>>, vector<2048x1024xf32>
    tpu.vector_store %arg6[%swap3A, %swap3A_138], %add3A_137 {strides = array<i32>} : memref<2048x1024xf32, #tpu.memory_space<vmem>>, vector<2048x1024xf32>,
    return
  }
  func.func @transform_0(%arg0: i32, %arg1: i32) -> (i32, i32) {
    %mul3A = arith.constant 1 : i32
    %mul3A_0 = arith.muli %arg1, %mul3A : i32
    %add3A = arith.addi %mul3A_0, %arg0 : i32
    %c0_i32 = arith.constant 0 : i32
    %c0_i32_1 = arith.constant 0 : i32
    return %c0_i32, %add3A : i32, i32
  }
  func.func @transform_1(%arg0: i32, %arg1: i32) -> (i32, i32) {
    %mul3A = arith.constant 1 : i32
    %mul3A_0 = arith.muli %arg1, %mul3A : i32
    %add3A = arith.addi %mul3A_0, %arg0 : i32
    %c0_i32 = arith.constant 0 : i32
    %c0_i32_1 = arith.constant 0 : i32
    return %add3A, %c0_i32 : i32, i32
  }
  func.func @transform_2(%arg0: i32, %arg1: i32) -> (i32, i32) {
    %c0_i32 = arith.constant 0 : i32
    %c0_i32_0 = arith.constant 0 : i32
    return %arg0, %c0_i32 : i32, i32
  }
  func.func @transform_3(%arg0: i32, %arg1: i32) -> (i32, i32) {
    %c0_i32 = arith.constant 0 : i32
    %c0_i32_0 = arith.constant 0 : i32
    %c0_i32_1 = arith.constant 0 : i32
    return %c0_i32, %c0_i32_0 : i32, i32
  }
  func.func @transform_4(%arg0: i32, %arg1: i32) -> (i32, i32) {
    %add3A = arith.constant 0 : i32
    %add3A_0 = arith.addi %add3A, %arg1 : i32
    %mul3A = arith.constant 1 : i32
    %mul3A_1 = arith.muli %add3A_0, %mul3A : i32
    %add3A_2 = arith.addi %mul3A_1, %arg0 : i32
    %c0_i32 = arith.constant 0 : i32
    %c0_i32_3 = arith.constant 0 : i32
    return %add3A_2, %c0_i32 : i32, i32
  }
}

</mosaic_0001>

<sc_bundles>
// kernel: kernel.11.cloned.1.call-start
scs
__scs_entry_jumppad:
0x0: {  	(pc) =	sbr.rel $0x88, $3  }
0x1: {  	(tag) =	ssettag $0x0;
	lr =	simm.s32 $0x1  }
0x2: {  	[smem:$0x3F9C] =	sst lr;
	_ =	strace $0xD0000000  }
0x3: {  	_ = 	snop  }
0x4: {  	_ = 	snop  }
0x5: {  	_ = 	snop  }
0x6: {  	_ = 	snop  }
0x7: {  	_ = 	snop  }
__scs_overlays_trampoline_lowered:
0x8: {  	[smem:$0x3FAB] =	sst s0  }
0x9: {  	[smem:$0x3FAC] =	sst s1  }
0xa: {  	[smem:$0x3FAD] =	sst s2  }
0xb: {  	[smem:$0x3FAE] =	sst s3  }
0xc: {  	[smem:$0x3FAF] =	sst s4  }
0xd: {  	[smem:$0x3FB0] =	sst s5  }
0xe: {  	[smem:$0x3FB1] =	sst s6  }
0xf: {  	[smem:$0x3FB2] =	sst s7  }
0x10: {  	[smem:$0x3FB3] =	sst s8  }
0x11: {  	[smem:$0x3FB4] =	sst s9;
	s0 =	simm.s32 @!p0 $0x0  }
0x12: {  	s1 =	sld [smem:$0x3F9A];
	s0 =	simm.s32 @p0 $0x1  }
0x13: {  	[smem:$0x3FB5] =	sst s0;
	s0 =	simm.s32 @!p1 $0x0  }
0x14: {  	s2 =	sld [smem:$0x3F99];
	s0 =	simm.s32 @p1 $0x1  }
0x15: {  	[smem:$0x3FB6] =	sst s0;
	s0 =	simm.s32 @!p2 $0x0  }
0x16: {  	s3 =	sld [smem:$0x3FDB];
	s0 =	simm.s32 @p2 $0x1  }
0x17: {  	s4 =	simm.s32 $0x1BF5;
	[smem:$0x3FB8] =	sst s0  }
0x18: {  	s0 =	sld [smem:$0x3F9B];
	_ =	swait.ge [sflag:s4], $0x0  }
0x19: {  	s7 =	sld [smem:$0x3F9C]  }
0x1a: {  	s8 =	sadd.s32 $0xFFFFE003, lr  }
0x1b: {  	s9 =	sadd.s32 $0xFFFFFEF7, lr;
	s5 =	simm.s32 $0xFFFFFFFF;
	p2 =	slt.u32 s8, $0xFFFFF086  }
0x1c: {  	p1 =	slt.u32 s9, $0xF7A;
	s5 =	simm.s32 @!p2 $0x0  }
0x1d: {  	s5 =	simm.s32 @p1 $0x1;
	p0 =	seq.s32 s7, s2  }
0x1e: {  	s7 =	smul.u32 @!p0 $0xF7A, s2;
	p2 =	seq.s32 @!p0 s5, $0x0  }
0x1f: {  	s9 =	smul.u32 $0xF7A, s1;
	s8 =	simm.s32 @!p0 $0x1BF5;
	p2 =	por !p2, p0  }
0x20: {  	[sflag:s8] =	ssyncset.s32 @!p0 $0xFFFFF086;
	s6 =	sadd.s32 @!p0 s3, s7;
	s7 =	simm.s32 @!p0 $0x108  }
0x21: {  	s3 =	sadd.s32 s3, s9;
	s6 =	sadd.s32 @!p0 $0x88, s6;
	s7 =	simm.s32 @p2 $0x1082  }
0x22: {  	[simem:s7], [sflag:s8] =	dma.local @!p0 [hbm:s6], $0xF7A  }
0x23: {  	s9 =	sor.u32 $0xD0000000, s2;
	s6 =	simm.s32 $0x108;
	_ =	swait.ge @!p0 [sflag:s8], $0x0  }
0x24: {  	s3 =	sadd.s32 $0x88, s3;
	s6 =	simm.s32 @!p1 $0x1082;
	[sflag:s4] =	ssyncset.s32 $0xFFFFF086  }
0x25: {  	[simem:s6], [sflag:s4] =	dma.local [hbm:s3], $0xF7A  }
0x26: {  	[smem:$0x3F9C] =	sst s1;
	(tag) =	ssettag s2;
	_ =	strace s9  }
0x27: {  	s1 =	sld [smem:$0x3FAC]  }
0x28: {  	s2 =	sld [smem:$0x3FAD]  }
0x29: {  	s4 =	sld [smem:$0x3FAF]  }
0x2a: {  	p0 =	seq.s32 s5, $0x0;
	s5 =	sld [smem:$0x3FB0]  }
0x2b: {  	s6 =	sld [smem:$0x3FB1]  }
0x2c: {  	s7 =	sld [smem:$0x3FB2]  }
0x2d: {  	s3 =	simm.s32 $0x108;
	s8 =	sld [smem:$0x3FB3]  }
0x2e: {  	s3 =	simm.s32 @!p0 $0x1082;
	s9 =	sld [smem:$0x3FB4]  }
0x2f: {  	lr =	sadd.s32 s0, s3;
	s0 =	sld [smem:$0x3FAB]  }
0x30: {  	s3 =	sld [smem:$0x3FAE]  }
0x31: {  	[smem:$0x3FB7] =	sst s10  }
0x32: {  	s10 =	sld [smem:$0x3FB5];
	_ =	sdelay $0x3  }
0x33: {  	p0 =	seq.s32 s10, $0x1;
	s10 =	sld [smem:$0x3FB7];
	_ =	sdelay $0x3  }
0x34: {  	[smem:$0x3FB7] =	sst s10  }
0x35: {  	s10 =	sld [smem:$0x3FB6];
	_ =	sdelay $0x3  }
0x36: {  	p1 =	seq.s32 s10, $0x1;
	s10 =	sld [smem:$0x3FB7];
	_ =	sdelay $0x3  }
0x37: {  	[smem:$0x3FB7] =	sst s10  }
0x38: {  	s10 =	sld [smem:$0x3FB8]  }
0x39: {  	_ = 	snop;
	(pc) =	sbr.ind lr, $3  }
0x3a: {  	_ = 	snop  }
0x3b: {  	_ = 	snop  }
0x3c: {  	p2 =	seq.s32 s10, $0x1;
	s10 =	sld [smem:$0x3FB7]  }
0x3d: {  	_ =	shalt  }
0x3e: {  	_ =	shalt  }
0x3f: {  	_ =	shalt  }
0x40: {  	_ =	shalt  }
0x41: {  	_ =	shalt  }
0x42: {  	_ =	shalt  }
0x43: {  	_ =	shalt  }
0x44: {  	_ =	shalt  }
0x45: {  	_ =	shalt  }
0x46: {  	_ =	shalt  }
0x47: {  	_ =	shalt  }
0x48: {  	_ =	shalt  }
0x49: {  	_ =	shalt  }
0x4a: {  	_ =	shalt  }
0x4b: {  	_ =	shalt  }
0x4c: {  	_ =	shalt  }
0x4d: {  	_ =	shalt  }
0x4e: {  	_ =	shalt  }
0x4f: {  	_ =	shalt  }
0x50: {  	_ =	shalt  }
0x51: {  	_ =	shalt  }
0x52: {  	_ =	shalt  }
0x53: {  	_ =	shalt  }
0x54: {  	_ =	shalt  }
0x55: {  	_ =	shalt  }
0x56: {  	_ =	shalt  }
0x57: {  	_ =	shalt  }
0x58: {  	_ =	shalt  }
0x59: {  	_ =	shalt  }
0x5a: {  	_ =	shalt  }
0x5b: {  	_ =	shalt  }
0x5c: {  	_ =	shalt  }
0x5d: {  	_ =	shalt  }
0x5e: {  	_ =	shalt  }
0x5f: {  	_ =	shalt  }
0x60: {  	_ =	shalt  }
0x61: {  	_ =	shalt  }
0x62: {  	_ =	shalt  }
0x63: {  	_ =	shalt  }
0x64: {  	_ =	shalt  }
0x65: {  	_ =	shalt  }
0x66: {  	_ =	shalt  }
0x67: {  	_ =	shalt  }
0x68: {  	_ =	shalt  }
0x69: {  	_ =	shalt  }
0x6a: {  	_ =	shalt  }
0x6b: {  	_ =	shalt  }
0x6c: {  	_ =	shalt  }
0x6d: {  	_ =	shalt  }
0x6e: {  	_ =	shalt  }
0x6f: {  	_ =	shalt  }
0x70: {  	_ =	shalt  }
0x71: {  	_ =	shalt  }
0x72: {  	_ =	shalt  }
0x73: {  	_ =	shalt  }
0x74: {  	_ =	shalt  }
0x75: {  	_ =	shalt  }
0x76: {  	_ =	shalt  }
0x77: {  	_ =	shalt  }
0x78: {  	_ =	shalt  }
0x79: {  	_ =	shalt  }
0x7a: {  	_ =	shalt  }
0x7b: {  	_ =	shalt  }
0x7c: {  	_ =	shalt  }
0x7d: {  	_ =	shalt  }
0x7e: {  	_ =	shalt  }
0x7f: {  	_ =	shalt  }
0x80: {  	_ =	shalt  }
0x81: {  	_ =	shalt  }
0x82: {  	_ =	shalt  }
0x83: {  	_ =	shalt  }
0x84: {  	_ =	shalt  }
0x85: {  	_ =	shalt  }
0x86: {  	_ =	shalt  }
0x87: {  	_ =	shalt  }
.Lfunc_end0:
.L_simem_size_0:
called_computation.1_lowered:
.L_overlay_start_0:
0x88: {  	s2 =	sld [smem:$0x3FD9]  }
0x89: {  	s3 =	sld [smem:$0x3FFE];
	_ =	sdelay $0x1  }
0x8a: {  	s1 =	srdreg.scid  }
0x8b: {  	s0 =	sand.u32 $0x1, s1  }
0x8c: {  	s17 =	sshll.u32 s0, $0xA;
	s2 =	sadd.s32 s3, s2  }
0x8d: {  	s2 =	sadd.s32 s2, s17  }
0x8e: {  	[smem:$0x3FC3] =	sst s2  }
0x8f: {  	_ = 	snop  }
0x90: {  	s18 =	sld [smem:$0x3FC7];
	(tm) =	ssettm $0x1  }
0x91: {  	s19 =	sld [smem:$0x3FFB];
	_ =	sdelay $0x3  }
0x92: {  	_ =	strace s19  }
0x93: {  	s2 =	sld [smem:$0x3FFC];
	_ =	sdelay $0x3  }
0x94: {  	_ =	strace s2  }
0x95: {  	s2 =	sld [smem:$0x3FFD];
	_ =	sdelay $0x3  }
0x96: {  	_ =	strace s2  }
0x97: {  	_ =	strace $0x8FFFFFFF  }
0x98: {  	s20 =	sld [smem:$0x3FDB];
	_ =	sdelay $0x1  }
0x99: {  	s4 =	simm.s32 $_scs_section_size  }
0x9a: {  	s5 =	simm.s32 $_size__tile_overlayer_lowered;
	s6 =	simm.s32 $_tile_overlayer_lowered  }
0x9b: {  	s7 =	simm.s32 $0x1BFF;
	s21 =	sshll.u32 s6, $0x1;
	s4 =	sadd.s32 s4, s20  }
0x9c: {  	s22 =	simm.s32 $0x0;
	s5 =	sshll.u32 s5, $0x1;
	s6 =	sadd.s32 s21, s4  }
0x9d: {  	[timem:s22], [sflag:s7] =	dma.local [hbm:s6], s5  }
0x9e: {  	_ =	swait.ge [sflag:s7], s5  }
0x9f: {  	s5 =	ssub.s32 $0x0, s5;
	[sflag:s7] =	ssyncset.done $0x0  }
0xa0: {  	[sflag:s7] =	ssyncadd.s32 s5;
	_ =	sdelay $0x1  }
0xa1: {  	s23 =	simm.s32 $0x1B8B  }
0xa2: {  	_ =	swait.ge [sflag:s23], $0x1  }
0xa3: {  	[sflag:s23] =	ssyncset.done $0x0  }
0xa4: {  	[sflag:s23] =	ssyncadd.s32 $0xFFFFFFFF  }
0xa5: {  	s5 =	sld [smem:$0x0]  }
0xa6: {  	s6 =	sand.u32 $0xFFFFFFFE, s1  }
0xa7: {  	p0 =	sne.s32 s1, s6  }
0xa8: {  	s6 =	sshll.u32 @p0 s6, $0xE  }
0xa9: {  	s6 =	sadd.s32 @p0 $0x11B8D, s6;
	s7 =	sshll.u32 @p0 s5, $0x11  }
0xaa: {  	s6 =	sor.u32 @p0 s7, s6  }
0xab: {  	[sflag:s6] =	ssyncadd.remote.s32 @p0 $0x1;
	_ =	sdelay $0x1  }
0xac: {  	s6 =	simm.s32 @p0 $0x1B8D  }
0xad: {  	_ =	swait.eq @p0 [sflag:s6], $0x1  }
0xae: {  	[sflag:s6] =	ssyncadd.s32 @p0 $0xFFFFFFFF  }
0xaf: {  	s7 =	sshll.u32 @!p0 s1, $0xE  }
0xb0: {  	s7 =	sor.u32 @!p0 $0x4000, s7;
	s6 =	simm.s32 @!p0 $0x1B8D  }
0xb1: {  	s5 =	sshll.u32 @!p0 s5, $0x11;
	s7 =	sadd.s32 @!p0 $0x11B8D, s7;
	_ =	swait.eq @!p0 [sflag:s6], $0x1  }
0xb2: {  	s5 =	sor.u32 @!p0 s5, s7;
	[sflag:s6] =	ssyncadd.s32 @!p0 $0xFFFFFFFF  }
0xb3: {  	s25 =	simm.s32 $0x1B8E;
	s24 =	sld [smem:$0x3FFE];
	[sflag:s5] =	ssyncadd.remote.s32 @!p0 $0x1  }
0xb4: {  	s26 =	simm.s32 $execute0_lowered;
	[smem:$0x3FD2] =	sst s25  }
0xb5: {  	s6 =	sshll.u32 s26, $0x1;
	_ =	strace $0x80000049;
	[dreg:$0x1] =	wrdreg $0xFFFFFFFF  }
0xb6: {  	s28 =	simm.s32 $_size_execute0_lowered;
	s4 =	sadd.s32 s4, s6;
	[dreg:$0x0] =	wrdreg $0x0  }
0xb7: {  	s6 =	sshll.u32 s28, $0x1;
	[dreg:$0x2] =	wrdreg s4  }
0xb8: {  	[dreg:$0x3] =	wrdreg s6  }
0xb9: {  	[dreg:$0x4] =	wrdreg $0xC0  }
0xba: {  	_ =	task [dreg:s22], $0x5FFFF  }
0xbb: {  	[dreg:$0x1] =	wrdreg $0xFFFFFFFF  }
0xbc: {  	[dreg:$0x0] =	wrdreg $0x60  }
0xbd: {  	[dreg:$0x2] =	wrdreg s24  }
0xbe: {  	[dreg:$0x3] =	wrdreg s18  }
0xbf: {  	[dreg:$0x4] =	wrdreg $0xA  }
0xc0: {  	_ =	task.clear_ibuf [dreg:s22], $0x5FFFF;
	_ =	strace $0x90000049  }
0xc1: {  	s29 =	simm.s32 $0xA;
	_ =	strace $0x8000004B  }
0xc2: {  	_ =	swait.ge [sflag:s29], $0x1  }
0xc3: {  	[sflag:s29] =	ssyncadd.s32 $0xFFFFFFFF  }
0xc4: {  	_ =	strace $0x9000004B  }
0xc5: {  	_ =	sfence  }
0xc6: {  	s30 =	sld [smem:$0x0];
	_ =	sdelay $0x2  }
0xc7: {  	s31 =	sshll.u32 s1, $0xD;
	s1 =	sshrl.u32 s1, $0x2  }
0xc8: {  	s4 =	sand.u32 $0x4000, s31;
	s1 =	sadd.s32 s1, s30  }
0xc9: {  	s0 =	sor.u32 s4, s0;
	s1 =	sshll.u32 s1, $0x11  }
0xca: {  	s0 =	sor.u32 s1, s0  }
0xcb: {  	s0 =	sadd.s32 $0x8F2B, s0  }
0xcc: {  	[sflag:s0] =	ssyncadd.remote.s32 $0x1  }
0xcd: {  	_ =	sfence.sel $0xFFFF  }
0xce: {  	[dreg:$0x0] =	wrdreg $0xFFFFFFFF;
	(pc) =	sbr.abs _section_cstart, $3  }
0xcf: {  	[dreg:$0x1] =	wrdreg $0xFFFFFFFF  }
0xd0: {  	_ =	task.clear_ibuf [dreg:s22], $0x2FFFF;
	_ =	strace $0x9FFFFFFF  }
0xd1: {  	(tm) =	ssettm $0x7FFFFFFF  }
tec
execute0_lowered:
.L_overlay_start_1:
0x0: {  	(tag) =	ssettag $0x1  }
0x1: {  	s0 =	srdreg.scid  }
0x2: {  	s2 =	stileid.u32;
	s0 =	sand.u32 $0x1, s0  }
0x3: {  	s1 =	rddreg [dreg:$0x0];
	s3 =	sshll.u32 s2, $0x8;
	s4 =	sshll.u32 s0, $0x7  }
0x4: {  	s2 =	rddreg [dreg:$0x1];
	s4 =	sor.u32 s4, s3;
	s3 =	simm.s32 $0x0  }
0x5: {  	s18 =	simm.s32 $0x8880;
	[smem:$0x7FF] =	sst s3  }
0x6: {  	s19 =	simm.s32 $0x9080;
	_ =	strace $0x8000004A;
	[dreg:$0x8] =	wrdreg s18  }
0x7: {  	s20 =	simm.s32 $0x9880;
	[dreg:$0x9] =	wrdreg s19  }
0x8: {  	s21 =	simm.s32 $0xA080;
	[dreg:$0xa] =	wrdreg s20  }
0x9: {  	s22 =	simm.s32 $0xA880;
	[dreg:$0xb] =	wrdreg s21  }
0xa: {  	s23 =	simm.s32 $0xB080;
	[dreg:$0xc] =	wrdreg s22  }
0xb: {  	s24 =	simm.s32 $0xB880;
	[dreg:$0xd] =	wrdreg s23  }
0xc: {  	s26 =	simm.s32 $0xC080;
	s6 =	simm.s32 $0xD080;
	[dreg:$0xe] =	wrdreg s24  }
0xd: {  	s7 =	simm.s32 $0xD880;
	s8 =	simm.s32 $0xE080;
	[dreg:$0xf] =	wrdreg s26  }
0xe: {  	s9 =	simm.s32 $0xE880;
	s10 =	simm.s32 $0xF080;
	[dreg:$0x11] =	wrdreg s6  }
0xf: {  	s11 =	simm.s32 $0xF880;
	s12 =	simm.s32 $0x10880;
	[dreg:$0x12] =	wrdreg s7  }
0x10: {  	s13 =	simm.s32 $0x11080;
	s28 =	simm.s32 $0x1;
	[dreg:$0x13] =	wrdreg s8  }
0x11: {  	s29 =	simm.s32 $0x4;
	s31 =	simm.s32 $0x3;
	[dreg:$0x14] =	wrdreg s9  }
0x12: {  	s30 =	simm.s32 $0x10080;
	s0 =	ssub.s32 $0x2, s0;
	[dreg:$0x15] =	wrdreg s10  }
0x13: {  	s25 =	sshrl.u32 s0, $0x1;
	s5 =	sshrl.u32 s4, $0x3;
	[dreg:$0x16] =	wrdreg s11  }
0x14: {  	s4 =	sshll.u32 s4, $0x7;
	s0 =	ssub.s32 s0, s25;
	[dreg:$0x17] =	wrdreg s12  }
0x15: {  	s25 =	simm.s32 $0x17080;
	s5 =	sadd.s32 s5, s1;
	[dreg:$0x18] =	wrdreg s13  }
0x16: {  	s1 =	sadd.s32 s4, s1;
	s18 =	simm.s32 $0x13880;
	[smem:$0x7FC] =	sst s25  }
0x17: {  	s4 =	sadd.s32 $0x100, s2;
	s19 =	simm.s32 $0x14080;
	[dreg:$0x1d] =	wrdreg s18  }
0x18: {  	s6 =	sadd.s32 $0x300, s2;
	s20 =	simm.s32 $0x14880;
	[dreg:$0x1e] =	wrdreg s19  }
0x19: {  	s7 =	smax.u32 s0, $0x1;
	s21 =	simm.s32 $0x15080;
	[dreg:$0x1f] =	wrdreg s20  }
0x1a: {  	s9 =	simm.s32 $0x80;
	s22 =	simm.s32 $0x15880;
	[smem:$0x7F8] =	sst s21  }
0x1b: {  	s23 =	simm.s32 $0x16080;
	s24 =	simm.s32 $0x16880;
	[smem:$0x7F9] =	sst s22  }
0x1c: {  	s26 =	simm.s32 $0x17880;
	s0 =	simm.s32 $0x6;
	[smem:$0x7FA] =	sst s23  }
0x1d: {  	s12 =	simm.s32 $0x880;
	s13 =	simm.s32 $0x1080;
	[smem:$0x7FB] =	sst s24  }
0x1e: {  	s25 =	simm.s32 $0x7080;
	s14 =	sadd.s32 $0x2200, s5;
	[smem:$0x7FD] =	sst s26  }
0x1f: {  	s15 =	sadd.s32 $0x2400, s1;
	s16 =	sadd.s32 $0x3400, s1;
	[dreg:$0x3] =	wrdreg s14  }
0x20: {  	s17 =	sadd.s32 $0x4400, s1;
	s1 =	sadd.s32 $0x5400, s1;
	[dreg:$0x4] =	wrdreg s15  }
0x21: {  	s5 =	simm.s32 $0xC880;
	s18 =	simm.s32 $0x3880;
	[dreg:$0x5] =	wrdreg s16  }
0x22: {  	s19 =	simm.s32 $0x4080;
	s20 =	simm.s32 $0x4880;
	[dreg:$0x6] =	wrdreg s17  }
0x23: {  	s21 =	simm.s32 $0x5080;
	s22 =	simm.s32 $0x5880;
	[dreg:$0x7] =	wrdreg s1  }
0x24: {  	s23 =	simm.s32 $0x6080;
	[dreg:$0x10] =	wrdreg s5;
	s14 =	simm.s32 $0x11880  }
0x25: {  	s24 =	simm.s32 $0x6880;
	s15 =	simm.s32 $0x12080;
	[dreg:$0x19] =	wrdreg s14  }
0x26: {  	s26 =	simm.s32 $0x7880;
	s16 =	simm.s32 $0x12880;
	[dreg:$0x1a] =	wrdreg s15  }
0x27: {  	v2 =	vlaneseq.u32;
	s5 =	sadd.s32 $0x200, s2;
	s17 =	simm.s32 $0x13080;
	[dreg:$0x1b] =	wrdreg s16  }
0x28: {  	vm0 =	vmmov $0xffff;
	v1 =	vshrl.u32 v2, $0x3;
	s1 =	simm.s32 $0x5;
	[dreg:$0x1c] =	wrdreg s17;
	s14 =	simm.s32 $0x1880  }
0x29: {  	v0 =	vand.u32 $0x7, v2;
	v2 =	vor.u32 $0x8, v2;
	v1 =	vmul.u32 $0x8, v1;
	s15 =	simm.s32 $0x2080;
	s16 =	simm.s32 $0x2880;
	s17 =	simm.s32 $0x3080  }
.LBB2_1:
0x2a: {  	s10 =	rddreg [dreg:$0x3];
	s8 =	simm.s32 $0x7  }
0x2b: {  	[tilespmem:s3], [sflag:$0x7] =	stream.linear.gather [hbm4b:s10+s3], $0x80, $0x38;
	[tilespmem:$0x18080] =	vst v63  }
0x2c: {  	_ =	swait.ge [sflag:s8], $0x80  }
0x2d: {  	[sflag:s8] =	ssyncset.done $0x0  }
0x2e: {  	[sflag:s8] =	ssyncadd.s32 $0xFFFFFF80  }
0x2f: {  	v3 =	vld [tilespmem:$0x0];
	_ =	sdelay $0x4  }
0x30: {  	v4 =	vshll.u32 v3, $0x3  }
0x31: {  	v3 =	vand.u32 $0x7, v3;
	v4 =	vand.u32 $0xFFFFFFC0, v4  }
0x32: {  	v3 =	vor.u32 v3, v4  }
0x33: {  	v4 =	vperm.xlane v3, v0;
	_ =	sdelay $0x1  }
0x34: {  	v4 =	vadd.s32 v1, v4;
	_ =	sdelay $0x4  }
0x35: {  	[tilespmem:s9], [sflag:$0x1] =	stream.indirect_vreg.gather [hbm4b:s2+s3], $0x80, v4, vm0, $0xb8;
	[tilespmem:$0x18080] =	vst v63  }
0x36: {  	v3 =	vperm.xlane v3, v2  }
0x37: {  	[tilespmem:s12], [sflag:$0x1] =	stream.indirect_vreg.gather [hbm4b:s4+s3], $0x80, v4, vm0, $0xb8;
	[tilespmem:$0x18080] =	vst v63  }
0x38: {  	v3 =	vadd.s32 v1, v3  }
0x39: {  	[tilespmem:s13], [sflag:$0x1] =	stream.indirect_vreg.gather [hbm4b:s5+s3], $0x80, v4, vm0, $0xb8;
	[tilespmem:$0x18080] =	vst v63  }
0x3a: {  	_ = 	snop  }
0x3b: {  	[tilespmem:s14], [sflag:$0x1] =	stream.indirect_vreg.gather [hbm4b:s6+s3], $0x80, v4, vm0, $0xb8;
	[tilespmem:$0x18080] =	vst v63  }
0x3c: {  	_ = 	snop  }
0x3d: {  	[tilespmem:s15], [sflag:$0x1] =	stream.indirect_vreg.gather [hbm4b:s2+s3], $0x80, v3, vm0, $0xb8;
	[tilespmem:$0x18080] =	vst v63  }
0x3e: {  	_ = 	snop  }
0x3f: {  	[tilespmem:s16], [sflag:$0x1] =	stream.indirect_vreg.gather [hbm4b:s4+s3], $0x80, v3, vm0, $0xb8;
	[tilespmem:$0x18080] =	vst v63  }
0x40: {  	_ = 	snop  }
0x41: {  	[tilespmem:s17], [sflag:$0x1] =	stream.indirect_vreg.gather [hbm4b:s5+s3], $0x80, v3, vm0, $0xb8;
	[tilespmem:$0x18080] =	vst v63  }
0x42: {  	_ = 	snop  }
0x43: {  	[tilespmem:s18], [sflag:$0x1] =	stream.indirect_vreg.gather [hbm4b:s6+s3], $0x80, v3, vm0, $0xb8;
	[tilespmem:$0x18080] =	vst v63  }
0x44: {  	v3 =	vld [tilespmem:$0x10];
	_ =	sdelay $0x4  }
0x45: {  	v57 =	vshll.u32 v3, $0x3  }
0x46: {  	v3 =	vand.u32 $0x7, v3;
	v4 =	vand.u32 $0xFFFFFFC0, v57  }
0x47: {  	v3 =	vor.u32 v3, v4  }
0x48: {  	v4 =	vperm.xlane v3, v0;
	_ =	sdelay $0x1  }
0x49: {  	v4 =	vadd.s32 v1, v4;
	_ =	sdelay $0x4  }
0x4a: {  	[tilespmem:s19], [sflag:$0x1] =	stream.indirect_vreg.gather [hbm4b:s2+s3], $0x80, v4, vm0, $0xb8;
	[tilespmem:$0x18080] =	vst v63  }
0x4b: {  	v3 =	vperm.xlane v3, v2  }
0x4c: {  	[tilespmem:s20], [sflag:$0x1] =	stream.indirect_vreg.gather [hbm4b:s4+s3], $0x80, v4, vm0, $0xb8;
	[tilespmem:$0x18080] =	vst v63  }
0x4d: {  	v3 =	vadd.s32 v1, v3  }
0x4e: {  	[tilespmem:s21], [sflag:$0x1] =	stream.indirect_vreg.gather [hbm4b:s5+s3], $0x80, v4, vm0, $0xb8;
	[tilespmem:$0x18080] =	vst v63  }
0x4f: {  	_ = 	snop  }
0x50: {  	[tilespmem:s22], [sflag:$0x1] =	stream.indirect_vreg.gather [hbm4b:s6+s3], $0x80, v4, vm0, $0xb8;
	[tilespmem:$0x18080] =	vst v63  }
0x51: {  	_ = 	snop  }
0x52: {  	[tilespmem:s23], [sflag:$0x1] =	stream.indirect_vreg.gather [hbm4b:s2+s3], $0x80, v3, vm0, $0xb8;
	[tilespmem:$0x18080] =	vst v63  }
0x53: {  	_ = 	snop  }
0x54: {  	[tilespmem:s24], [sflag:$0x1] =	stream.indirect_vreg.gather [hbm4b:s4+s3], $0x80, v3, vm0, $0xb8;
	[tilespmem:$0x18080] =	vst v63  }
0x55: {  	_ = 	snop  }
0x56: {  	[tilespmem:s25], [sflag:$0x1] =	stream.indirect_vreg.gather [hbm4b:s5+s3], $0x80, v3, vm0, $0xb8;
	[tilespmem:$0x18080] =	vst v63  }
0x57: {  	_ = 	snop  }
0x58: {  	[tilespmem:s26], [sflag:$0x1] =	stream.indirect_vreg.gather [hbm4b:s6+s3], $0x80, v3, vm0, $0xb8;
	[tilespmem:$0x18080] =	vst v63  }
0x59: {  	v3 =	vld [tilespmem:$0x20];
	_ =	sdelay $0x4  }
0x5a: {  	v58 =	vshll.u32 v3, $0x3  }
0x5b: {  	v3 =	vand.u32 $0x7, v3;
	v4 =	vand.u32 $0xFFFFFFC0, v58  }
0x5c: {  	v3 =	vor.u32 v3, v4  }
0x5d: {  	v4 =	vperm.xlane v3, v0;
	_ =	sdelay $0x1  }
0x5e: {  	v4 =	vadd.s32 v1, v4;
	_ =	sdelay $0x3  }
0x5f: {  	s8 =	simm.s32 $0x8080  }
0x60: {  	[tilespmem:s8], [sflag:$0x2] =	stream.indirect_vreg.gather [hbm4b:s2+s3], $0x80, v4, vm0, $0xb8;
	[tilespmem:$0x18080] =	vst v63  }
0x61: {  	s10 =	rddreg [dreg:$0x8];
	v3 =	vperm.xlane v3, v2  }
0x62: {  	[tilespmem:s10], [sflag:$0x2] =	stream.indirect_vreg.gather [hbm4b:s4+s3], $0x80, v4, vm0, $0xb8;
	[tilespmem:$0x18080] =	vst v63  }
0x63: {  	s11 =	rddreg [dreg:$0x9];
	v3 =	vadd.s32 v1, v3  }
0x64: {  	[tilespmem:s11], [sflag:$0x2] =	stream.indirect_vreg.gather [hbm4b:s5+s3], $0x80, v4, vm0, $0xb8;
	[tilespmem:$0x18080] =	vst v63  }
0x65: {  	s10 =	rddreg [dreg:$0xa]  }
0x66: {  	[tilespmem:s10], [sflag:$0x2] =	stream.indirect_vreg.gather [hbm4b:s6+s3], $0x80, v4, vm0, $0xb8;
	[tilespmem:$0x18080] =	vst v63  }
0x67: {  	s11 =	rddreg [dreg:$0xb]  }
0x68: {  	[tilespmem:s11], [sflag:$0x2] =	stream.indirect_vreg.gather [hbm4b:s2+s3], $0x80, v3, vm0, $0xb8;
	[tilespmem:$0x18080] =	vst v63  }
0x69: {  	s10 =	rddreg [dreg:$0xc]  }
0x6a: {  	[tilespmem:s10], [sflag:$0x2] =	stream.indirect_vreg.gather [hbm4b:s4+s3], $0x80, v3, vm0, $0xb8;
	[tilespmem:$0x18080] =	vst v63  }
0x6b: {  	s11 =	rddreg [dreg:$0xd]  }
0x6c: {  	[tilespmem:s11], [sflag:$0x2] =	stream.indirect_vreg.gather [hbm4b:s5+s3], $0x80, v3, vm0, $0xb8;
	[tilespmem:$0x18080] =	vst v63  }
0x6d: {  	s10 =	rddreg [dreg:$0xe]  }
0x6e: {  	[tilespmem:s10], [sflag:$0x2] =	stream.indirect_vreg.gather [hbm4b:s6+s3], $0x80, v3, vm0, $0xb8;
	[tilespmem:$0x18080] =	vst v63  }
0x6f: {  	v3 =	vld [tilespmem:$0x30];
	_ =	sdelay $0x4  }
0x70: {  	v59 =	vshll.u32 v3, $0x3  }
0x71: {  	v3 =	vand.u32 $0x7, v3;
	v4 =	vand.u32 $0xFFFFFFC0, v59  }
0x72: {  	v3 =	vor.u32 v3, v4  }
0x73: {  	v4 =	vperm.xlane v3, v0;
	_ =	sdelay $0x1  }
0x74: {  	v4 =	vadd.s32 v1, v4;
	_ =	sdelay $0x3  }
0x75: {  	s10 =	rddreg [dreg:$0xf]  }
0x76: {  	[tilespmem:s10], [sflag:$0x2] =	stream.indirect_vreg.gather [hbm4b:s2+s3], $0x80, v4, vm0, $0xb8;
	[tilespmem:$0x18080] =	vst v63  }
0x77: {  	s11 =	rddreg [dreg:$0x10];
	v3 =	vperm.xlane v3, v2  }
0x78: {  	[tilespmem:s11], [sflag:$0x2] =	stream.indirect_vreg.gather [hbm4b:s4+s3], $0x80, v4, vm0, $0xb8;
	[tilespmem:$0x18080] =	vst v63  }
0x79: {  	v3 =	vadd.s32 v1, v3;
	s10 =	rddreg [dreg:$0x11]  }
0x7a: {  	[tilespmem:s10], [sflag:$0x2] =	stream.indirect_vreg.gather [hbm4b:s5+s3], $0x80, v4, vm0, $0xb8;
	[tilespmem:$0x18080] =	vst v63  }
0x7b: {  	s11 =	rddreg [dreg:$0x12]  }
0x7c: {  	[tilespmem:s11], [sflag:$0x2] =	stream.indirect_vreg.gather [hbm4b:s6+s3], $0x80, v4, vm0, $0xb8;
	[tilespmem:$0x18080] =	vst v63  }
0x7d: {  	s10 =	rddreg [dreg:$0x13]  }
0x7e: {  	[tilespmem:s10], [sflag:$0x2] =	stream.indirect_vreg.gather [hbm4b:s2+s3], $0x80, v3, vm0, $0xb8;
	[tilespmem:$0x18080] =	vst v63  }
0x7f: {  	s11 =	rddreg [dreg:$0x14]  }
0x80: {  	[tilespmem:s11], [sflag:$0x2] =	stream.indirect_vreg.gather [hbm4b:s4+s3], $0x80, v3, vm0, $0xb8;
	[tilespmem:$0x18080] =	vst v63  }
0x81: {  	s10 =	rddreg [dreg:$0x15]  }
0x82: {  	[tilespmem:s10], [sflag:$0x2] =	stream.indirect_vreg.gather [hbm4b:s5+s3], $0x80, v3, vm0, $0xb8;
	[tilespmem:$0x18080] =	vst v63  }
0x83: {  	s11 =	rddreg [dreg:$0x16]  }
0x84: {  	[tilespmem:s11], [sflag:$0x2] =	stream.indirect_vreg.gather [hbm4b:s6+s3], $0x80, v3, vm0, $0xb8;
	[tilespmem:$0x18080] =	vst v63  }
0x85: {  	v3 =	vld [tilespmem:$0x40];
	_ =	sdelay $0x4  }
0x86: {  	v60 =	vshll.u32 v3, $0x3  }
0x87: {  	v3 =	vand.u32 $0x7, v3;
	v4 =	vand.u32 $0xFFFFFFC0, v60  }
0x88: {  	v3 =	vor.u32 v3, v4  }
0x89: {  	v4 =	vperm.xlane v3, v0;
	_ =	sdelay $0x1  }
0x8a: {  	v4 =	vadd.s32 v1, v4;
	_ =	sdelay $0x4  }
0x8b: {  	[tilespmem:s30], [sflag:$0x3] =	stream.indirect_vreg.gather [hbm4b:s2+s3], $0x80, v4, vm0, $0xb8;
	[tilespmem:$0x18080] =	vst v63  }
0x8c: {  	s10 =	rddreg [dreg:$0x17];
	v3 =	vperm.xlane v3, v2  }
0x8d: {  	[tilespmem:s10], [sflag:$0x3] =	stream.indirect_vreg.gather [hbm4b:s4+s3], $0x80, v4, vm0, $0xb8;
	[tilespmem:$0x18080] =	vst v63  }
0x8e: {  	s11 =	rddreg [dreg:$0x18];
	v3 =	vadd.s32 v1, v3  }
0x8f: {  	[tilespmem:s11], [sflag:$0x3] =	stream.indirect_vreg.gather [hbm4b:s5+s3], $0x80, v4, vm0, $0xb8;
	[tilespmem:$0x18080] =	vst v63  }
0x90: {  	s10 =	rddreg [dreg:$0x19]  }
0x91: {  	[tilespmem:s10], [sflag:$0x3] =	stream.indirect_vreg.gather [hbm4b:s6+s3], $0x80, v4, vm0, $0xb8;
	[tilespmem:$0x18080] =	vst v63  }
0x92: {  	s11 =	rddreg [dreg:$0x1a]  }
0x93: {  	[tilespmem:s11], [sflag:$0x3] =	stream.indirect_vreg.gather [hbm4b:s2+s3], $0x80, v3, vm0, $0xb8;
	[tilespmem:$0x18080] =	vst v63  }
0x94: {  	s10 =	rddreg [dreg:$0x1b]  }
0x95: {  	[tilespmem:s10], [sflag:$0x3] =	stream.indirect_vreg.gather [hbm4b:s4+s3], $0x80, v3, vm0, $0xb8;
	[tilespmem:$0x18080] =	vst v63  }
0x96: {  	s11 =	rddreg [dreg:$0x1c]  }
0x97: {  	[tilespmem:s11], [sflag:$0x3] =	stream.indirect_vreg.gather [hbm4b:s5+s3], $0x80, v3, vm0, $0xb8;
	[tilespmem:$0x18080] =	vst v63  }
0x98: {  	s10 =	rddreg [dreg:$0x1d]  }
0x99: {  	[tilespmem:s10], [sflag:$0x3] =	stream.indirect_vreg.gather [hbm4b:s6+s3], $0x80, v3, vm0, $0xb8;
	[tilespmem:$0x18080] =	vst v63  }
0x9a: {  	v3 =	vld [tilespmem:$0x50];
	_ =	sdelay $0x4  }
0x9b: {  	v61 =	vshll.u32 v3, $0x3  }
0x9c: {  	v3 =	vand.u32 $0x7, v3;
	v4 =	vand.u32 $0xFFFFFFC0, v61  }
0x9d: {  	v3 =	vor.u32 v3, v4  }
0x9e: {  	v4 =	vperm.xlane v3, v0;
	_ =	sdelay $0x1  }
0x9f: {  	v4 =	vadd.s32 v1, v4;
	_ =	sdelay $0x2  }
0xa0: {  	s11 =	rddreg [dreg:$0x1f]  }
0xa1: {  	s10 =	rddreg [dreg:$0x1e]  }
0xa2: {  	[tilespmem:s10], [sflag:$0x3] =	stream.indirect_vreg.gather [hbm4b:s2+s3], $0x80, v4, vm0, $0xb8;
	[tilespmem:$0x18080] =	vst v63  }
0xa3: {  	v3 =	vperm.xlane v3, v2;
	s10 =	sld [smem:$0x7F8]  }
0xa4: {  	[tilespmem:s11], [sflag:$0x3] =	stream.indirect_vreg.gather [hbm4b:s4+s3], $0x80, v4, vm0, $0xb8;
	[tilespmem:$0x18080] =	vst v63  }
0xa5: {  	v3 =	vadd.s32 v1, v3;
	s11 =	sld [smem:$0x7F9]  }
0xa6: {  	[tilespmem:s10], [sflag:$0x3] =	stream.indirect_vreg.gather [hbm4b:s5+s3], $0x80, v4, vm0, $0xb8;
	[tilespmem:$0x18080] =	vst v63  }
0xa7: {  	s10 =	sld [smem:$0x7FA]  }
0xa8: {  	[tilespmem:s11], [sflag:$0x3] =	stream.indirect_vreg.gather [hbm4b:s6+s3], $0x80, v4, vm0, $0xb8;
	[tilespmem:$0x18080] =	vst v63  }
0xa9: {  	s11 =	sld [smem:$0x7FB]  }
0xaa: {  	[tilespmem:s10], [sflag:$0x3] =	stream.indirect_vreg.gather [hbm4b:s2+s3], $0x80, v3, vm0, $0xb8;
	[tilespmem:$0x18080] =	vst v63  }
0xab: {  	s10 =	sld [smem:$0x7FC]  }
0xac: {  	[tilespmem:s11], [sflag:$0x3] =	stream.indirect_vreg.gather [hbm4b:s4+s3], $0x80, v3, vm0, $0xb8;
	[tilespmem:$0x18080] =	vst v63  }
0xad: {  	s11 =	sld [smem:$0x7FD]  }
0xae: {  	[tilespmem:s10], [sflag:$0x3] =	stream.indirect_vreg.gather [hbm4b:s5+s3], $0x80, v3, vm0, $0xb8;
	[tilespmem:$0x18080] =	vst v63  }
0xaf: {  	_ = 	snop  }
0xb0: {  	[tilespmem:s11], [sflag:$0x3] =	stream.indirect_vreg.gather [hbm4b:s6+s3], $0x80, v3, vm0, $0xb8;
	[tilespmem:$0x18080] =	vst v63  }
0xb1: {  	_ =	swait.ge [sflag:s28], $0x8000  }
0xb2: {  	[sflag:s28] =	ssyncset.done $0x0  }
0xb3: {  	s11 =	rddreg [dreg:$0x4];
	[sflag:s28] =	ssyncadd.s32 $0xFFFF8000  }
0xb4: {  	[hbm4b:s11+s3] =	stream.linear.scatter [tilespmem:s9], [sflag:$0x4], $0x8000, $0x38;
	[tilespmem:$0x18080] =	vst v63  }
0xb5: {  	_ =	swait.ge [sflag:s29], $0x8000  }
0xb6: {  	[sflag:s29] =	ssyncset.done $0x0  }
0xb7: {  	[sflag:s29] =	ssyncadd.s32 $0xFFFF8000  }
0xb8: {  	v3 =	vld [tilespmem:$0x60];
	_ =	sdelay $0x4  }
0xb9: {  	v62 =	vshll.u32 v3, $0x3  }
0xba: {  	v3 =	vand.u32 $0x7, v3;
	v4 =	vand.u32 $0xFFFFFFC0, v62  }
0xbb: {  	v3 =	vor.u32 v3, v4  }
0xbc: {  	v4 =	vperm.xlane v3, v0;
	_ =	sdelay $0x1  }
0xbd: {  	v4 =	vadd.s32 v1, v4;
	_ =	sdelay $0x4  }
0xbe: {  	[tilespmem:s9], [sflag:$0x1] =	stream.indirect_vreg.gather [hbm4b:s2+s3], $0x80, v4, vm0, $0xb8;
	[tilespmem:$0x18080] =	vst v63  }
0xbf: {  	v3 =	vperm.xlane v3, v2  }
0xc0: {  	[tilespmem:s12], [sflag:$0x1] =	stream.indirect_vreg.gather [hbm4b:s4+s3], $0x80, v4, vm0, $0xb8;
	[tilespmem:$0x18080] =	vst v63  }
0xc1: {  	v3 =	vadd.s32 v1, v3  }
0xc2: {  	[tilespmem:s13], [sflag:$0x1] =	stream.indirect_vreg.gather [hbm4b:s5+s3], $0x80, v4, vm0, $0xb8;
	[tilespmem:$0x18080] =	vst v63  }
0xc3: {  	_ = 	snop  }
0xc4: {  	[tilespmem:s14], [sflag:$0x1] =	stream.indirect_vreg.gather [hbm4b:s6+s3], $0x80, v4, vm0, $0xb8;
	[tilespmem:$0x18080] =	vst v63  }
0xc5: {  	_ = 	snop  }
0xc6: {  	[tilespmem:s15], [sflag:$0x1] =	stream.indirect_vreg.gather [hbm4b:s2+s3], $0x80, v3, vm0, $0xb8;
	[tilespmem:$0x18080] =	vst v63  }
0xc7: {  	_ = 	snop  }
0xc8: {  	[tilespmem:s16], [sflag:$0x1] =	stream.indirect_vreg.gather [hbm4b:s4+s3], $0x80, v3, vm0, $0xb8;
	[tilespmem:$0x18080] =	vst v63  }
0xc9: {  	_ = 	snop  }
0xca: {  	[tilespmem:s17], [sflag:$0x1] =	stream.indirect_vreg.gather [hbm4b:s5+s3], $0x80, v3, vm0, $0xb8;
	[tilespmem:$0x18080] =	vst v63  }
0xcb: {  	_ = 	snop  }
0xcc: {  	[tilespmem:s18], [sflag:$0x1] =	stream.indirect_vreg.gather [hbm4b:s6+s3], $0x80, v3, vm0, $0xb8;
	[tilespmem:$0x18080] =	vst v63  }
0xcd: {  	v3 =	vld [tilespmem:$0x70];
	_ =	sdelay $0x4  }
0xce: {  	v63 =	vshll.u32 v3, $0x3  }
0xcf: {  	v3 =	vand.u32 $0x7, v3;
	v4 =	vand.u32 $0xFFFFFFC0, v63  }
0xd0: {  	v3 =	vor.u32 v3, v4  }
0xd1: {  	v4 =	vperm.xlane v3, v0;
	_ =	sdelay $0x1  }
0xd2: {  	v4 =	vadd.s32 v1, v4;
	_ =	sdelay $0x4  }
0xd3: {  	[tilespmem:s19], [sflag:$0x1] =	stream.indirect_vreg.gather [hbm4b:s2+s3], $0x80, v4, vm0, $0xb8;
	[tilespmem:$0x18080] =	vst v63  }
0xd4: {  	v3 =	vperm.xlane v3, v2  }
0xd5: {  	[tilespmem:s20], [sflag:$0x1] =	stream.indirect_vreg.gather [hbm4b:s4+s3], $0x80, v4, vm0, $0xb8;
	[tilespmem:$0x18080] =	vst v63  }
0xd6: {  	v3 =	vadd.s32 v1, v3  }
0xd7: {  	[tilespmem:s21], [sflag:$0x1] =	stream.indirect_vreg.gather [hbm4b:s5+s3], $0x80, v4, vm0, $0xb8;
	[tilespmem:$0x18080] =	vst v63  }
0xd8: {  	_ = 	snop  }
0xd9: {  	[tilespmem:s22], [sflag:$0x1] =	stream.indirect_vreg.gather [hbm4b:s6+s3], $0x80, v4, vm0, $0xb8;
	[tilespmem:$0x18080] =	vst v63  }
0xda: {  	_ = 	snop  }
0xdb: {  	[tilespmem:s23], [sflag:$0x1] =	stream.indirect_vreg.gather [hbm4b:s2+s3], $0x80, v3, vm0, $0xb8;
	[tilespmem:$0x18080] =	vst v63  }
0xdc: {  	_ = 	snop  }
0xdd: {  	[tilespmem:s24], [sflag:$0x1] =	stream.indirect_vreg.gather [hbm4b:s4+s3], $0x80, v3, vm0, $0xb8;
	[tilespmem:$0x18080] =	vst v63  }
0xde: {  	_ = 	snop  }
0xdf: {  	[tilespmem:s25], [sflag:$0x1] =	stream.indirect_vreg.gather [hbm4b:s5+s3], $0x80, v3, vm0, $0xb8;
	[tilespmem:$0x18080] =	vst v63  }
0xe0: {  	s11 =	simm.s32 $0x2  }
0xe1: {  	[tilespmem:s26], [sflag:$0x1] =	stream.indirect_vreg.gather [hbm4b:s6+s3], $0x80, v3, vm0, $0xb8;
	[tilespmem:$0x18080] =	vst v63  }
0xe2: {  	_ =	swait.ge [sflag:s11], $0x8000  }
0xe3: {  	[sflag:s11] =	ssyncset.done $0x0  }
0xe4: {  	s10 =	rddreg [dreg:$0x5];
	[sflag:s11] =	ssyncadd.s32 $0xFFFF8000  }
0xe5: {  	[hbm4b:s10+s3] =	stream.linear.scatter [tilespmem:s8], [sflag:$0x5], $0x8000, $0x38;
	[tilespmem:$0x18080] =	vst v63  }
0xe6: {  	_ =	swait.ge [sflag:s31], $0x8000  }
0xe7: {  	[sflag:s31] =	ssyncset.done $0x0  }
0xe8: {  	s8 =	rddreg [dreg:$0x6];
	[sflag:s31] =	ssyncadd.s32 $0xFFFF8000  }
0xe9: {  	[hbm4b:s8+s3] =	stream.linear.scatter [tilespmem:s30], [sflag:$0x6], $0x8000, $0x38;
	[tilespmem:$0x18080] =	vst v63  }
0xea: {  	_ =	swait.ge [sflag:s28], $0x8000  }
0xeb: {  	[sflag:s28] =	ssyncset.done $0x0  }
0xec: {  	s11 =	rddreg [dreg:$0x7];
	[sflag:s28] =	ssyncadd.s32 $0xFFFF8000  }
0xed: {  	[hbm4b:s11+s3] =	stream.linear.scatter [tilespmem:s9], [sflag:$0x4], $0x8000, $0x38;
	[tilespmem:$0x18080] =	vst v63  }
0xee: {  	_ =	swait.ge [sflag:s1], $0x8000  }
0xef: {  	[sflag:s1] =	ssyncset.done $0x0  }
0xf0: {  	[sflag:s1] =	ssyncadd.s32 $0xFFFF8000  }
0xf1: {  	p0 =	sne.s32 s7, $0x1;
	_ =	swait.ge [sflag:s0], $0x8000  }
.Ltmp0:
0xf2: {  	[sflag:s0] =	ssyncset.done $0x0;
	(pc) =	sbr.rel @p0 .LBB2_1-.Ltmp0, $4  }
0xf3: {  	[sflag:s0] =	ssyncadd.s32 $0xFFFF8000  }
0xf4: {  	_ =	swait.ge [sflag:s29], $0x8000  }
0xf5: {  	[sflag:s29] =	ssyncset.done $0x0  }
0xf6: {  	s7 =	sadd.s32 $0xFFFFFFFF, s7;
	[sflag:s29] =	ssyncadd.s32 $0xFFFF8000  }
0xf7: {  	_ =	sfence.sel $0x180000  }
0xf8: {  	[bflag:$0x0] =	sbarrier.arrive $0xFFFF  }
0xf9: {  	_ =	strace $0x9000004A  }
0xfa: {  	s0 =	stileid.u32;
	[bflag:$0x2] =	sbarrier.arrive $0xFFFF  }
0xfb: {  	p0 =	sne.s32 s0, $0x0;
	s0 =	rddreg [dreg:$0x2]  }
0xfc: {  	s0 =	sadd.s32 @!p0 $0x100000, s0  }
0xfd: {  	[sflag:s0] =	ssyncadd.tile.s32 @!p0 $0x1;
	_ =	shalt  }
.Lfunc_end2:
_tile_overlayer_lowered:
.L_overlay_start_2:
0xfe: {  	(tag) =	ssettag $0x2  }
0xff: {  	s0 =	rddreg [dreg:$0x0];
	s2 =	stileid.u32  }
0x100: {  	s1 =	rddreg [dreg:$0x1];
	p0 =	sne.s32 s2, $0x0  }
0x101: {  	s3 =	rddreg [dreg:$0x2];
	[bflag:$0x3] =	sbarrier.arrive $0xFFFF;
	s2 =	simm.s32 @!p0 $0x1C07  }
0x102: {  	[timem:s3], [sflag:s2] =	dma.local @!p0 [hbm:s0], s1  }
0x103: {  	s0 =	simm.s32 @!p0 $0x7  }
0x104: {  	_ =	swait.ge @!p0 [sflag:s0], s1  }
0x105: {  	s1 =	ssub.s32 @!p0 $0x0, s1;
	[sflag:s0] =	ssyncset.done @!p0 $0x0  }
0x106: {  	[sflag:s0] =	ssyncadd.s32 @!p0 s1  }
0x107: {  	[bflag:$0x3] =	sbarrier.arrive $0xFFFF  }
0x108: {  	_ =	shalt  }

// kernel: kernel.14.cloned.1.call-start
scs
__scs_entry_jumppad:
0x0: {  	(pc) =	sbr.rel $0x88, $3  }
0x1: {  	(tag) =	ssettag $0x0;
	lr =	simm.s32 $0x1  }
0x2: {  	[smem:$0x3F9C] =	sst lr;
	_ =	strace $0xD0000000  }
0x3: {  	_ = 	snop  }
0x4: {  	_ = 	snop  }
0x5: {  	_ = 	snop  }
0x6: {  	_ = 	snop  }
0x7: {  	_ = 	snop  }
__scs_overlays_trampoline_lowered:
0x8: {  	[smem:$0x3FAB] =	sst s0  }
0x9: {  	[smem:$0x3FAC] =	sst s1  }
0xa: {  	[smem:$0x3FAD] =	sst s2  }
0xb: {  	[smem:$0x3FAE] =	sst s3  }
0xc: {  	[smem:$0x3FAF] =	sst s4  }
0xd: {  	[smem:$0x3FB0] =	sst s5  }
0xe: {  	[smem:$0x3FB1] =	sst s6  }
0xf: {  	[smem:$0x3FB2] =	sst s7  }
0x10: {  	[smem:$0x3FB3] =	sst s8  }
0x11: {  	[smem:$0x3FB4] =	sst s9;
	s0 =	simm.s32 @!p0 $0x0  }
0x12: {  	s1 =	sld [smem:$0x3F9A];
	s0 =	simm.s32 @p0 $0x1  }
0x13: {  	[smem:$0x3FB5] =	sst s0;
	s0 =	simm.s32 @!p1 $0x0  }
0x14: {  	s2 =	sld [smem:$0x3F99];
	s0 =	simm.s32 @p1 $0x1  }
0x15: {  	[smem:$0x3FB6] =	sst s0;
	s0 =	simm.s32 @!p2 $0x0  }
0x16: {  	s3 =	sld [smem:$0x3FDB];
	s0 =	simm.s32 @p2 $0x1  }
0x17: {  	s4 =	simm.s32 $0x1BF5;
	[smem:$0x3FB8] =	sst s0  }
0x18: {  	s0 =	sld [smem:$0x3F9B];
	_ =	swait.ge [sflag:s4], $0x0  }
0x19: {  	s7 =	sld [smem:$0x3F9C]  }
0x1a: {  	s8 =	sadd.s32 $0xFFFFE003, lr  }
0x1b: {  	s9 =	sadd.s32 $0xFFFFFEF7, lr;
	s5 =	simm.s32 $0xFFFFFFFF;
	p2 =	slt.u32 s8, $0xFFFFF086  }
0x1c: {  	p1 =	slt.u32 s9, $0xF7A;
	s5 =	simm.s32 @!p2 $0x0  }
0x1d: {  	s5 =	simm.s32 @p1 $0x1;
	p0 =	seq.s32 s7, s2  }
0x1e: {  	s7 =	smul.u32 @!p0 $0xF7A, s2;
	p2 =	seq.s32 @!p0 s5, $0x0  }
0x1f: {  	s9 =	smul.u32 $0xF7A, s1;
	s8 =	simm.s32 @!p0 $0x1BF5;
	p2 =	por !p2, p0  }
0x20: {  	[sflag:s8] =	ssyncset.s32 @!p0 $0xFFFFF086;
	s6 =	sadd.s32 @!p0 s3, s7;
	s7 =	simm.s32 @!p0 $0x108  }
0x21: {  	s3 =	sadd.s32 s3, s9;
	s6 =	sadd.s32 @!p0 $0x88, s6;
	s7 =	simm.s32 @p2 $0x1082  }
0x22: {  	[simem:s7], [sflag:s8] =	dma.local @!p0 [hbm:s6], $0xF7A  }
0x23: {  	s9 =	sor.u32 $0xD0000000, s2;
	s6 =	simm.s32 $0x108;
	_ =	swait.ge @!p0 [sflag:s8], $0x0  }
0x24: {  	s3 =	sadd.s32 $0x88, s3;
	s6 =	simm.s32 @!p1 $0x1082;
	[sflag:s4] =	ssyncset.s32 $0xFFFFF086  }
0x25: {  	[simem:s6], [sflag:s4] =	dma.local [hbm:s3], $0xF7A  }
0x26: {  	[smem:$0x3F9C] =	sst s1;
	(tag) =	ssettag s2;
	_ =	strace s9  }
0x27: {  	s1 =	sld [smem:$0x3FAC]  }
0x28: {  	s2 =	sld [smem:$0x3FAD]  }
0x29: {  	s4 =	sld [smem:$0x3FAF]  }
0x2a: {  	p0 =	seq.s32 s5, $0x0;
	s5 =	sld [smem:$0x3FB0]  }
0x2b: {  	s6 =	sld [smem:$0x3FB1]  }
0x2c: {  	s7 =	sld [smem:$0x3FB2]  }
0x2d: {  	s3 =	simm.s32 $0x108;
	s8 =	sld [smem:$0x3FB3]  }
0x2e: {  	s3 =	simm.s32 @!p0 $0x1082;
	s9 =	sld [smem:$0x3FB4]  }
0x2f: {  	lr =	sadd.s32 s0, s3;
	s0 =	sld [smem:$0x3FAB]  }
0x30: {  	s3 =	sld [smem:$0x3FAE]  }
0x31: {  	[smem:$0x3FB7] =	sst s10  }
0x32: {  	s10 =	sld [smem:$0x3FB5];
	_ =	sdelay $0x3  }
0x33: {  	p0 =	seq.s32 s10, $0x1;
	s10 =	sld [smem:$0x3FB7];
	_ =	sdelay $0x3  }
0x34: {  	[smem:$0x3FB7] =	sst s10  }
0x35: {  	s10 =	sld [smem:$0x3FB6];
	_ =	sdelay $0x3  }
0x36: {  	p1 =	seq.s32 s10, $0x1;
	s10 =	sld [smem:$0x3FB7];
	_ =	sdelay $0x3  }
0x37: {  	[smem:$0x3FB7] =	sst s10  }
0x38: {  	s10 =	sld [smem:$0x3FB8]  }
0x39: {  	_ = 	snop;
	(pc) =	sbr.ind lr, $3  }
0x3a: {  	_ = 	snop  }
0x3b: {  	_ = 	snop  }
0x3c: {  	p2 =	seq.s32 s10, $0x1;
	s10 =	sld [smem:$0x3FB7]  }
0x3d: {  	_ =	shalt  }
0x3e: {  	_ =	shalt  }
0x3f: {  	_ =	shalt  }
0x40: {  	_ =	shalt  }
0x41: {  	_ =	shalt  }
0x42: {  	_ =	shalt  }
0x43: {  	_ =	shalt  }
0x44: {  	_ =	shalt  }
0x45: {  	_ =	shalt  }
0x46: {  	_ =	shalt  }
0x47: {  	_ =	shalt  }
0x48: {  	_ =	shalt  }
0x49: {  	_ =	shalt  }
0x4a: {  	_ =	shalt  }
0x4b: {  	_ =	shalt  }
0x4c: {  	_ =	shalt  }
0x4d: {  	_ =	shalt  }
0x4e: {  	_ =	shalt  }
0x4f: {  	_ =	shalt  }
0x50: {  	_ =	shalt  }
0x51: {  	_ =	shalt  }
0x52: {  	_ =	shalt  }
0x53: {  	_ =	shalt  }
0x54: {  	_ =	shalt  }
0x55: {  	_ =	shalt  }
0x56: {  	_ =	shalt  }
0x57: {  	_ =	shalt  }
0x58: {  	_ =	shalt  }
0x59: {  	_ =	shalt  }
0x5a: {  	_ =	shalt  }
0x5b: {  	_ =	shalt  }
0x5c: {  	_ =	shalt  }
0x5d: {  	_ =	shalt  }
0x5e: {  	_ =	shalt  }
0x5f: {  	_ =	shalt  }
0x60: {  	_ =	shalt  }
0x61: {  	_ =	shalt  }
0x62: {  	_ =	shalt  }
0x63: {  	_ =	shalt  }
0x64: {  	_ =	shalt  }
0x65: {  	_ =	shalt  }
0x66: {  	_ =	shalt  }
0x67: {  	_ =	shalt  }
0x68: {  	_ =	shalt  }
0x69: {  	_ =	shalt  }
0x6a: {  	_ =	shalt  }
0x6b: {  	_ =	shalt  }
0x6c: {  	_ =	shalt  }
0x6d: {  	_ =	shalt  }
0x6e: {  	_ =	shalt  }
0x6f: {  	_ =	shalt  }
0x70: {  	_ =	shalt  }
0x71: {  	_ =	shalt  }
0x72: {  	_ =	shalt  }
0x73: {  	_ =	shalt  }
0x74: {  	_ =	shalt  }
0x75: {  	_ =	shalt  }
0x76: {  	_ =	shalt  }
0x77: {  	_ =	shalt  }
0x78: {  	_ =	shalt  }
0x79: {  	_ =	shalt  }
0x7a: {  	_ =	shalt  }
0x7b: {  	_ =	shalt  }
0x7c: {  	_ =	shalt  }
0x7d: {  	_ =	shalt  }
0x7e: {  	_ =	shalt  }
0x7f: {  	_ =	shalt  }
0x80: {  	_ =	shalt  }
0x81: {  	_ =	shalt  }
0x82: {  	_ =	shalt  }
0x83: {  	_ =	shalt  }
0x84: {  	_ =	shalt  }
0x85: {  	_ =	shalt  }
0x86: {  	_ =	shalt  }
0x87: {  	_ =	shalt  }
.Lfunc_end0:
.L_simem_size_0:
called_computation.2_lowered:
.L_overlay_start_0:
0x88: {  	s2 =	sld [smem:$0x3FD9]  }
0x89: {  	s3 =	sld [smem:$0x3FFE];
	_ =	sdelay $0x1  }
0x8a: {  	s1 =	srdreg.scid  }
0x8b: {  	s0 =	sand.u32 $0x1, s1  }
0x8c: {  	s17 =	sshll.u32 s0, $0xA;
	s2 =	sadd.s32 s3, s2  }
0x8d: {  	s2 =	sadd.s32 s2, s17  }
0x8e: {  	[smem:$0x3FC3] =	sst s2  }
0x8f: {  	_ = 	snop  }
0x90: {  	s18 =	sld [smem:$0x3FC7];
	(tm) =	ssettm $0x1  }
0x91: {  	s19 =	sld [smem:$0x3FFB];
	_ =	sdelay $0x3  }
0x92: {  	_ =	strace s19  }
0x93: {  	s2 =	sld [smem:$0x3FFC];
	_ =	sdelay $0x3  }
0x94: {  	_ =	strace s2  }
0x95: {  	s2 =	sld [smem:$0x3FFD];
	_ =	sdelay $0x3  }
0x96: {  	_ =	strace s2  }
0x97: {  	_ =	strace $0x8FFFFFFF  }
0x98: {  	s20 =	sld [smem:$0x3FDB];
	_ =	sdelay $0x1  }
0x99: {  	s4 =	simm.s32 $_scs_section_size  }
0x9a: {  	s5 =	simm.s32 $_size__tile_overlayer_lowered;
	s6 =	simm.s32 $_tile_overlayer_lowered  }
0x9b: {  	s7 =	simm.s32 $0x1BFF;
	s21 =	sshll.u32 s6, $0x1;
	s4 =	sadd.s32 s4, s20  }
0x9c: {  	s22 =	simm.s32 $0x0;
	s5 =	sshll.u32 s5, $0x1;
	s6 =	sadd.s32 s21, s4  }
0x9d: {  	[timem:s22], [sflag:s7] =	dma.local [hbm:s6], s5  }
0x9e: {  	_ =	swait.ge [sflag:s7], s5  }
0x9f: {  	s5 =	ssub.s32 $0x0, s5;
	[sflag:s7] =	ssyncset.done $0x0  }
0xa0: {  	[sflag:s7] =	ssyncadd.s32 s5;
	_ =	sdelay $0x1  }
0xa1: {  	s23 =	simm.s32 $0x1B8B  }
0xa2: {  	_ =	swait.ge [sflag:s23], $0x1  }
0xa3: {  	[sflag:s23] =	ssyncset.done $0x0  }
0xa4: {  	[sflag:s23] =	ssyncadd.s32 $0xFFFFFFFF  }
0xa5: {  	s5 =	sld [smem:$0x0]  }
0xa6: {  	s6 =	sand.u32 $0xFFFFFFFE, s1  }
0xa7: {  	p0 =	sne.s32 s1, s6  }
0xa8: {  	s6 =	sshll.u32 @p0 s6, $0xE  }
0xa9: {  	s6 =	sadd.s32 @p0 $0x11B8D, s6;
	s7 =	sshll.u32 @p0 s5, $0x11  }
0xaa: {  	s6 =	sor.u32 @p0 s7, s6  }
0xab: {  	[sflag:s6] =	ssyncadd.remote.s32 @p0 $0x1;
	_ =	sdelay $0x1  }
0xac: {  	s6 =	simm.s32 @p0 $0x1B8D  }
0xad: {  	_ =	swait.eq @p0 [sflag:s6], $0x1  }
0xae: {  	[sflag:s6] =	ssyncadd.s32 @p0 $0xFFFFFFFF  }
0xaf: {  	s7 =	sshll.u32 @!p0 s1, $0xE  }
0xb0: {  	s7 =	sor.u32 @!p0 $0x4000, s7;
	s6 =	simm.s32 @!p0 $0x1B8D  }
0xb1: {  	s5 =	sshll.u32 @!p0 s5, $0x11;
	s7 =	sadd.s32 @!p0 $0x11B8D, s7;
	_ =	swait.eq @!p0 [sflag:s6], $0x1  }
0xb2: {  	s5 =	sor.u32 @!p0 s5, s7;
	[sflag:s6] =	ssyncadd.s32 @!p0 $0xFFFFFFFF  }
0xb3: {  	s25 =	simm.s32 $0x1B8E;
	s24 =	sld [smem:$0x3FFE];
	[sflag:s5] =	ssyncadd.remote.s32 @!p0 $0x1  }
0xb4: {  	s26 =	simm.s32 $execute0_lowered;
	[smem:$0x3FD2] =	sst s25  }
0xb5: {  	s6 =	sshll.u32 s26, $0x1;
	_ =	strace $0x8000004C;
	[dreg:$0x1] =	wrdreg $0xFFFFFFFF  }
0xb6: {  	s28 =	simm.s32 $_size_execute0_lowered;
	s4 =	sadd.s32 s4, s6;
	[dreg:$0x0] =	wrdreg $0x0  }
0xb7: {  	s6 =	sshll.u32 s28, $0x1;
	[dreg:$0x2] =	wrdreg s4  }
0xb8: {  	[dreg:$0x3] =	wrdreg s6  }
0xb9: {  	[dreg:$0x4] =	wrdreg $0xC0  }
0xba: {  	_ =	task [dreg:s22], $0x5FFFF  }
0xbb: {  	[dreg:$0x1] =	wrdreg $0xFFFFFFFF  }
0xbc: {  	[dreg:$0x0] =	wrdreg $0x60  }
0xbd: {  	[dreg:$0x2] =	wrdreg s24  }
0xbe: {  	[dreg:$0x3] =	wrdreg s18  }
0xbf: {  	[dreg:$0x4] =	wrdreg $0xB  }
0xc0: {  	_ =	task.clear_ibuf [dreg:s22], $0x5FFFF;
	_ =	strace $0x9000004C  }
0xc1: {  	s29 =	simm.s32 $0xB;
	_ =	strace $0x8000004E  }
0xc2: {  	_ =	swait.ge [sflag:s29], $0x1  }
0xc3: {  	[sflag:s29] =	ssyncadd.s32 $0xFFFFFFFF  }
0xc4: {  	_ =	strace $0x9000004E  }
0xc5: {  	_ =	sfence  }
0xc6: {  	s30 =	sld [smem:$0x0];
	_ =	sdelay $0x2  }
0xc7: {  	s31 =	sshll.u32 s1, $0xD;
	s1 =	sshrl.u32 s1, $0x2  }
0xc8: {  	s4 =	sand.u32 $0x4000, s31;
	s1 =	sadd.s32 s1, s30  }
0xc9: {  	s0 =	sor.u32 s4, s0;
	s1 =	sshll.u32 s1, $0x11  }
0xca: {  	s0 =	sor.u32 s1, s0  }
0xcb: {  	s0 =	sadd.s32 $0x8F2B, s0  }
0xcc: {  	[sflag:s0] =	ssyncadd.remote.s32 $0x1  }
0xcd: {  	_ =	sfence.sel $0xFFFF  }
0xce: {  	[dreg:$0x0] =	wrdreg $0xFFFFFFFF;
	(pc) =	sbr.abs _section_cstart, $3  }
0xcf: {  	[dreg:$0x1] =	wrdreg $0xFFFFFFFF  }
0xd0: {  	_ =	task.clear_ibuf [dreg:s22], $0x2FFFF;
	_ =	strace $0x9FFFFFFF  }
0xd1: {  	(tm) =	ssettm $0x7FFFFFFF  }
tec
execute0_lowered:
.L_overlay_start_1:
0x0: {  	(tag) =	ssettag $0x1  }
0x1: {  	s1 =	srdreg.scid;
	s4 =	rddreg [dreg:$0x0]  }
0x2: {  	s0 =	stileid.u32;
	s2 =	rddreg [dreg:$0x1];
	s15 =	simm.s32 $0x880  }
0x3: {  	s16 =	simm.s32 $0x1080;
	s17 =	simm.s32 $0x1880;
	s1 =	sand.u32 $0x1, s1  }
0x4: {  	s18 =	simm.s32 $0x2080;
	s3 =	sshll.u32 s0, $0x7;
	s5 =	sshll.u32 s1, $0x6  }
0x5: {  	s19 =	simm.s32 $0x2880;
	s5 =	sor.u32 s5, s3;
	s3 =	simm.s32 $0x0  }
0x6: {  	s20 =	simm.s32 $0x3080;
	s22 =	simm.s32 $0x3880;
	[smem:$0x7FF] =	sst s3  }
0x7: {  	s23 =	simm.s32 $0x4080;
	_ =	strace $0x8000004D;
	[dreg:$0x6] =	wrdreg s15  }
0x8: {  	s24 =	simm.s32 $0x4880;
	s7 =	simm.s32 $0x5080;
	[dreg:$0x7] =	wrdreg s16  }
0x9: {  	s8 =	simm.s32 $0x5880;
	s25 =	simm.s32 $0x6080;
	[dreg:$0x8] =	wrdreg s17  }
0xa: {  	s26 =	simm.s32 $0x6880;
	s9 =	simm.s32 $0x80;
	[dreg:$0x9] =	wrdreg s18  }
0xb: {  	s11 =	simm.s32 $0x7880;
	s12 =	simm.s32 $0x8080;
	[dreg:$0xa] =	wrdreg s19  }
0xc: {  	s28 =	simm.s32 $0xF880;
	s29 =	simm.s32 $0x1;
	[dreg:$0xb] =	wrdreg s20  }
0xd: {  	s30 =	simm.s32 $0x2;
	s1 =	ssub.s32 $0x2, s1;
	[dreg:$0xc] =	wrdreg s22  }
0xe: {  	s31 =	simm.s32 $0x3;
	s21 =	sshrl.u32 s1, $0x1;
	[dreg:$0xd] =	wrdreg s23  }
0xf: {  	s6 =	sshrl.u32 s5, $0x3;
	s5 =	sshll.u32 s5, $0x7;
	[dreg:$0xe] =	wrdreg s24  }
0x10: {  	s1 =	ssub.s32 s1, s21;
	s21 =	simm.s32 $0xC880;
	[dreg:$0xf] =	wrdreg s7  }
0x11: {  	s6 =	sadd.s32 s6, s4;
	s4 =	sadd.s32 s5, s4;
	[dreg:$0x10] =	wrdreg s8  }
0x12: {  	s5 =	sadd.s32 $0x200, s2;
	s7 =	smax.u32 s1, $0x1;
	[dreg:$0x11] =	wrdreg s25  }
0x13: {  	s8 =	simm.s32 $0x5;
	[dreg:$0x12] =	wrdreg s26;
	s15 =	simm.s32 $0x9880  }
0x14: {  	s16 =	simm.s32 $0xA080;
	s17 =	simm.s32 $0xA880;
	s18 =	simm.s32 $0xB080  }
0x15: {  	s19 =	simm.s32 $0xB880;
	s20 =	simm.s32 $0xC080;
	s22 =	simm.s32 $0xD080  }
0x16: {  	s23 =	simm.s32 $0xD880;
	s24 =	simm.s32 $0xE080;
	s13 =	sadd.s32 $0x2000, s6  }
0x17: {  	s25 =	simm.s32 $0xE880;
	s14 =	sadd.s32 $0x82400, s4;
	[dreg:$0x3] =	wrdreg s13  }
0x18: {  	v2 =	vlaneseq.u32;
	s26 =	simm.s32 $0xF080;
	s4 =	sadd.s32 $0x83400, s4;
	[dreg:$0x4] =	wrdreg s14  }
0x19: {  	vm0 =	vmmov $0xffff;
	v1 =	vshrl.u32 v2, $0x3;
	s1 =	simm.s32 $0x4;
	s6 =	sadd.s32 $0x300, s2;
	[dreg:$0x5] =	wrdreg s4  }
0x1a: {  	v0 =	vand.u32 $0x7, v2;
	v2 =	vor.u32 $0x8, v2;
	v1 =	vmul.u32 $0x8, v1;
	s4 =	sadd.s32 $0x100, s2;
	s13 =	simm.s32 $0x8880;
	s14 =	simm.s32 $0x9080  }
.LBB2_1:
0x1b: {  	s0 =	rddreg [dreg:$0x3]  }
0x1c: {  	[tilespmem:s3], [sflag:$0x5] =	stream.linear.gather [hbm4b:s0+s3], $0x40, $0x38;
	[tilespmem:$0x10080] =	vst v63  }
0x1d: {  	_ =	swait.ge [sflag:s8], $0x40  }
0x1e: {  	[sflag:s8] =	ssyncset.done $0x0  }
0x1f: {  	[sflag:s8] =	ssyncadd.s32 $0xFFFFFFC0  }
0x20: {  	v3 =	vld [tilespmem:$0x0];
	_ =	sdelay $0x4  }
0x21: {  	v4 =	vshll.u32 v3, $0x3  }
0x22: {  	v3 =	vand.u32 $0x7, v3;
	v4 =	vand.u32 $0xFFFFFFC0, v4  }
0x23: {  	v3 =	vor.u32 v3, v4  }
0x24: {  	v4 =	vperm.xlane v3, v0;
	_ =	sdelay $0x1  }
0x25: {  	v4 =	vadd.s32 v1, v4;
	_ =	sdelay $0x4  }
0x26: {  	[tilespmem:s9], [sflag:$0x1] =	stream.indirect_vreg.gather [hbm4b:s2+s3], $0x80, v4, vm0, $0xb8;
	[tilespmem:$0x10080] =	vst v63  }
0x27: {  	s0 =	rddreg [dreg:$0x6];
	v3 =	vperm.xlane v3, v2  }
0x28: {  	[tilespmem:s0], [sflag:$0x1] =	stream.indirect_vreg.gather [hbm4b:s4+s3], $0x80, v4, vm0, $0xb8;
	[tilespmem:$0x10080] =	vst v63  }
0x29: {  	s10 =	rddreg [dreg:$0x7];
	v3 =	vadd.s32 v1, v3  }
0x2a: {  	[tilespmem:s10], [sflag:$0x1] =	stream.indirect_vreg.gather [hbm4b:s5+s3], $0x80, v4, vm0, $0xb8;
	[tilespmem:$0x10080] =	vst v63  }
0x2b: {  	s0 =	rddreg [dreg:$0x8]  }
0x2c: {  	[tilespmem:s0], [sflag:$0x1] =	stream.indirect_vreg.gather [hbm4b:s6+s3], $0x80, v4, vm0, $0xb8;
	[tilespmem:$0x10080] =	vst v63  }
0x2d: {  	s10 =	rddreg [dreg:$0x9]  }
0x2e: {  	[tilespmem:s10], [sflag:$0x1] =	stream.indirect_vreg.gather [hbm4b:s2+s3], $0x80, v3, vm0, $0xb8;
	[tilespmem:$0x10080] =	vst v63  }
0x2f: {  	s0 =	rddreg [dreg:$0xa]  }
0x30: {  	[tilespmem:s0], [sflag:$0x1] =	stream.indirect_vreg.gather [hbm4b:s4+s3], $0x80, v3, vm0, $0xb8;
	[tilespmem:$0x10080] =	vst v63  }
0x31: {  	s10 =	rddreg [dreg:$0xb]  }
0x32: {  	[tilespmem:s10], [sflag:$0x1] =	stream.indirect_vreg.gather [hbm4b:s5+s3], $0x80, v3, vm0, $0xb8;
	[tilespmem:$0x10080] =	vst v63  }
0x33: {  	s0 =	rddreg [dreg:$0xc]  }
0x34: {  	[tilespmem:s0], [sflag:$0x1] =	stream.indirect_vreg.gather [hbm4b:s6+s3], $0x80, v3, vm0, $0xb8;
	[tilespmem:$0x10080] =	vst v63  }
0x35: {  	v3 =	vld [tilespmem:$0x10];
	_ =	sdelay $0x4  }
0x36: {  	v61 =	vshll.u32 v3, $0x3  }
0x37: {  	v3 =	vand.u32 $0x7, v3;
	v4 =	vand.u32 $0xFFFFFFC0, v61  }
0x38: {  	v3 =	vor.u32 v3, v4  }
0x39: {  	v4 =	vperm.xlane v3, v0;
	_ =	sdelay $0x1  }
0x3a: {  	v4 =	vadd.s32 v1, v4;
	_ =	sdelay $0x3  }
0x3b: {  	s0 =	rddreg [dreg:$0xd]  }
0x3c: {  	[tilespmem:s0], [sflag:$0x1] =	stream.indirect_vreg.gather [hbm4b:s2+s3], $0x80, v4, vm0, $0xb8;
	[tilespmem:$0x10080] =	vst v63  }
0x3d: {  	s10 =	rddreg [dreg:$0xe];
	v3 =	vperm.xlane v3, v2  }
0x3e: {  	[tilespmem:s10], [sflag:$0x1] =	stream.indirect_vreg.gather [hbm4b:s4+s3], $0x80, v4, vm0, $0xb8;
	[tilespmem:$0x10080] =	vst v63  }
0x3f: {  	v3 =	vadd.s32 v1, v3;
	s0 =	rddreg [dreg:$0xf]  }
0x40: {  	[tilespmem:s0], [sflag:$0x1] =	stream.indirect_vreg.gather [hbm4b:s5+s3], $0x80, v4, vm0, $0xb8;
	[tilespmem:$0x10080] =	vst v63  }
0x41: {  	s10 =	rddreg [dreg:$0x10]  }
0x42: {  	[tilespmem:s10], [sflag:$0x1] =	stream.indirect_vreg.gather [hbm4b:s6+s3], $0x80, v4, vm0, $0xb8;
	[tilespmem:$0x10080] =	vst v63  }
0x43: {  	s0 =	rddreg [dreg:$0x11]  }
0x44: {  	[tilespmem:s0], [sflag:$0x1] =	stream.indirect_vreg.gather [hbm4b:s2+s3], $0x80, v3, vm0, $0xb8;
	[tilespmem:$0x10080] =	vst v63  }
0x45: {  	s10 =	rddreg [dreg:$0x12]  }
0x46: {  	[tilespmem:s10], [sflag:$0x1] =	stream.indirect_vreg.gather [hbm4b:s4+s3], $0x80, v3, vm0, $0xb8;
	[tilespmem:$0x10080] =	vst v63  }
0x47: {  	s10 =	simm.s32 $0x7080  }
0x48: {  	[tilespmem:s10], [sflag:$0x1] =	stream.indirect_vreg.gather [hbm4b:s5+s3], $0x80, v3, vm0, $0xb8;
	[tilespmem:$0x10080] =	vst v63  }
0x49: {  	_ = 	snop  }
0x4a: {  	[tilespmem:s11], [sflag:$0x1] =	stream.indirect_vreg.gather [hbm4b:s6+s3], $0x80, v3, vm0, $0xb8;
	[tilespmem:$0x10080] =	vst v63  }
0x4b: {  	v3 =	vld [tilespmem:$0x20];
	_ =	sdelay $0x4  }
0x4c: {  	v62 =	vshll.u32 v3, $0x3  }
0x4d: {  	v3 =	vand.u32 $0x7, v3;
	v4 =	vand.u32 $0xFFFFFFC0, v62  }
0x4e: {  	v3 =	vor.u32 v3, v4  }
0x4f: {  	v4 =	vperm.xlane v3, v0;
	_ =	sdelay $0x1  }
0x50: {  	v4 =	vadd.s32 v1, v4;
	_ =	sdelay $0x4  }
0x51: {  	[tilespmem:s12], [sflag:$0x2] =	stream.indirect_vreg.gather [hbm4b:s2+s3], $0x80, v4, vm0, $0xb8;
	[tilespmem:$0x10080] =	vst v63  }
0x52: {  	v3 =	vperm.xlane v3, v2  }
0x53: {  	[tilespmem:s13], [sflag:$0x2] =	stream.indirect_vreg.gather [hbm4b:s4+s3], $0x80, v4, vm0, $0xb8;
	[tilespmem:$0x10080] =	vst v63  }
0x54: {  	v3 =	vadd.s32 v1, v3  }
0x55: {  	[tilespmem:s14], [sflag:$0x2] =	stream.indirect_vreg.gather [hbm4b:s5+s3], $0x80, v4, vm0, $0xb8;
	[tilespmem:$0x10080] =	vst v63  }
0x56: {  	_ = 	snop  }
0x57: {  	[tilespmem:s15], [sflag:$0x2] =	stream.indirect_vreg.gather [hbm4b:s6+s3], $0x80, v4, vm0, $0xb8;
	[tilespmem:$0x10080] =	vst v63  }
0x58: {  	_ = 	snop  }
0x59: {  	[tilespmem:s16], [sflag:$0x2] =	stream.indirect_vreg.gather [hbm4b:s2+s3], $0x80, v3, vm0, $0xb8;
	[tilespmem:$0x10080] =	vst v63  }
0x5a: {  	_ = 	snop  }
0x5b: {  	[tilespmem:s17], [sflag:$0x2] =	stream.indirect_vreg.gather [hbm4b:s4+s3], $0x80, v3, vm0, $0xb8;
	[tilespmem:$0x10080] =	vst v63  }
0x5c: {  	_ = 	snop  }
0x5d: {  	[tilespmem:s18], [sflag:$0x2] =	stream.indirect_vreg.gather [hbm4b:s5+s3], $0x80, v3, vm0, $0xb8;
	[tilespmem:$0x10080] =	vst v63  }
0x5e: {  	_ = 	snop  }
0x5f: {  	[tilespmem:s19], [sflag:$0x2] =	stream.indirect_vreg.gather [hbm4b:s6+s3], $0x80, v3, vm0, $0xb8;
	[tilespmem:$0x10080] =	vst v63  }
0x60: {  	v3 =	vld [tilespmem:$0x30];
	_ =	sdelay $0x4  }
0x61: {  	v63 =	vshll.u32 v3, $0x3  }
0x62: {  	v3 =	vand.u32 $0x7, v3;
	v4 =	vand.u32 $0xFFFFFFC0, v63  }
0x63: {  	v3 =	vor.u32 v3, v4  }
0x64: {  	v4 =	vperm.xlane v3, v0;
	_ =	sdelay $0x1  }
0x65: {  	v4 =	vadd.s32 v1, v4;
	_ =	sdelay $0x4  }
0x66: {  	[tilespmem:s20], [sflag:$0x2] =	stream.indirect_vreg.gather [hbm4b:s2+s3], $0x80, v4, vm0, $0xb8;
	[tilespmem:$0x10080] =	vst v63  }
0x67: {  	v3 =	vperm.xlane v3, v2  }
0x68: {  	[tilespmem:s21], [sflag:$0x2] =	stream.indirect_vreg.gather [hbm4b:s4+s3], $0x80, v4, vm0, $0xb8;
	[tilespmem:$0x10080] =	vst v63  }
0x69: {  	v3 =	vadd.s32 v1, v3  }
0x6a: {  	[tilespmem:s22], [sflag:$0x2] =	stream.indirect_vreg.gather [hbm4b:s5+s3], $0x80, v4, vm0, $0xb8;
	[tilespmem:$0x10080] =	vst v63  }
0x6b: {  	_ = 	snop  }
0x6c: {  	[tilespmem:s23], [sflag:$0x2] =	stream.indirect_vreg.gather [hbm4b:s6+s3], $0x80, v4, vm0, $0xb8;
	[tilespmem:$0x10080] =	vst v63  }
0x6d: {  	_ = 	snop  }
0x6e: {  	[tilespmem:s24], [sflag:$0x2] =	stream.indirect_vreg.gather [hbm4b:s2+s3], $0x80, v3, vm0, $0xb8;
	[tilespmem:$0x10080] =	vst v63  }
0x6f: {  	_ = 	snop  }
0x70: {  	[tilespmem:s25], [sflag:$0x2] =	stream.indirect_vreg.gather [hbm4b:s4+s3], $0x80, v3, vm0, $0xb8;
	[tilespmem:$0x10080] =	vst v63  }
0x71: {  	_ = 	snop  }
0x72: {  	[tilespmem:s26], [sflag:$0x2] =	stream.indirect_vreg.gather [hbm4b:s5+s3], $0x80, v3, vm0, $0xb8;
	[tilespmem:$0x10080] =	vst v63  }
0x73: {  	_ = 	snop  }
0x74: {  	[tilespmem:s28], [sflag:$0x2] =	stream.indirect_vreg.gather [hbm4b:s6+s3], $0x80, v3, vm0, $0xb8;
	[tilespmem:$0x10080] =	vst v63  }
0x75: {  	_ =	swait.ge [sflag:s29], $0x8000  }
0x76: {  	[sflag:s29] =	ssyncset.done $0x0  }
0x77: {  	s10 =	rddreg [dreg:$0x4];
	[sflag:s29] =	ssyncadd.s32 $0xFFFF8000  }
0x78: {  	[hbm4b:s10+s3] =	stream.linear.scatter [tilespmem:s9], [sflag:$0x3], $0x8000, $0x38;
	[tilespmem:$0x10080] =	vst v63  }
0x79: {  	_ =	swait.ge [sflag:s30], $0x8000  }
0x7a: {  	[sflag:s30] =	ssyncset.done $0x0  }
0x7b: {  	s10 =	rddreg [dreg:$0x5];
	[sflag:s30] =	ssyncadd.s32 $0xFFFF8000  }
0x7c: {  	[hbm4b:s10+s3] =	stream.linear.scatter [tilespmem:s12], [sflag:$0x4], $0x8000, $0x38;
	[tilespmem:$0x10080] =	vst v63  }
0x7d: {  	p0 =	sne.s32 s7, $0x1;
	_ =	swait.ge [sflag:s31], $0x8000  }
.Ltmp0:
0x7e: {  	[sflag:s31] =	ssyncset.done $0x0;
	(pc) =	sbr.rel @p0 .LBB2_1-.Ltmp0, $4  }
0x7f: {  	[sflag:s31] =	ssyncadd.s32 $0xFFFF8000  }
0x80: {  	_ =	swait.ge [sflag:s1], $0x8000  }
0x81: {  	[sflag:s1] =	ssyncset.done $0x0  }
0x82: {  	s7 =	sadd.s32 $0xFFFFFFFF, s7;
	[sflag:s1] =	ssyncadd.s32 $0xFFFF8000  }
0x83: {  	_ =	sfence.sel $0x180000  }
0x84: {  	[bflag:$0x0] =	sbarrier.arrive $0xFFFF  }
0x85: {  	_ =	strace $0x9000004D  }
0x86: {  	s0 =	stileid.u32;
	[bflag:$0x2] =	sbarrier.arrive $0xFFFF  }
0x87: {  	p0 =	sne.s32 s0, $0x0;
	s0 =	rddreg [dreg:$0x2]  }
0x88: {  	s0 =	sadd.s32 @!p0 $0x100000, s0  }
0x89: {  	[sflag:s0] =	ssyncadd.tile.s32 @!p0 $0x1;
	_ =	shalt  }
.Lfunc_end2:
_tile_overlayer_lowered:
.L_overlay_start_2:
0x8a: {  	(tag) =	ssettag $0x2  }
0x8b: {  	s0 =	rddreg [dreg:$0x0];
	s2 =	stileid.u32  }
0x8c: {  	s1 =	rddreg [dreg:$0x1];
	p0 =	sne.s32 s2, $0x0  }
0x8d: {  	s3 =	rddreg [dreg:$0x2];
	[bflag:$0x3] =	sbarrier.arrive $0xFFFF;
	s2 =	simm.s32 @!p0 $0x1C05  }
0x8e: {  	[timem:s3], [sflag:s2] =	dma.local @!p0 [hbm:s0], s1  }
0x8f: {  	s0 =	simm.s32 @!p0 $0x5  }
0x90: {  	_ =	swait.ge @!p0 [sflag:s0], s1  }
0x91: {  	s1 =	ssub.s32 @!p0 $0x0, s1;
	[sflag:s0] =	ssyncset.done @!p0 $0x0  }
0x92: {  	[sflag:s0] =	ssyncadd.s32 @!p0 s1  }
0x93: {  	[bflag:$0x3] =	sbarrier.arrive $0xFFFF  }
0x94: {  	_ =	shalt  }

// kernel: kernel.8.cloned.1.call-start
scs
__scs_entry_jumppad:
0x0: {  	(pc) =	sbr.rel $0x88, $3  }
0x1: {  	(tag) =	ssettag $0x0;
	lr =	simm.s32 $0x1  }
0x2: {  	[smem:$0x3F9C] =	sst lr;
	_ =	strace $0xD0000000  }
0x3: {  	_ = 	snop  }
0x4: {  	_ = 	snop  }
0x5: {  	_ = 	snop  }
0x6: {  	_ = 	snop  }
0x7: {  	_ = 	snop  }
__scs_overlays_trampoline_lowered:
0x8: {  	[smem:$0x3FAB] =	sst s0  }
0x9: {  	[smem:$0x3FAC] =	sst s1  }
0xa: {  	[smem:$0x3FAD] =	sst s2  }
0xb: {  	[smem:$0x3FAE] =	sst s3  }
0xc: {  	[smem:$0x3FAF] =	sst s4  }
0xd: {  	[smem:$0x3FB0] =	sst s5  }
0xe: {  	[smem:$0x3FB1] =	sst s6  }
0xf: {  	[smem:$0x3FB2] =	sst s7  }
0x10: {  	[smem:$0x3FB3] =	sst s8  }
0x11: {  	[smem:$0x3FB4] =	sst s9;
	s0 =	simm.s32 @!p0 $0x0  }
0x12: {  	s1 =	sld [smem:$0x3F9A];
	s0 =	simm.s32 @p0 $0x1  }
0x13: {  	[smem:$0x3FB5] =	sst s0;
	s0 =	simm.s32 @!p1 $0x0  }
0x14: {  	s2 =	sld [smem:$0x3F99];
	s0 =	simm.s32 @p1 $0x1  }
0x15: {  	[smem:$0x3FB6] =	sst s0;
	s0 =	simm.s32 @!p2 $0x0  }
0x16: {  	s3 =	sld [smem:$0x3FDB];
	s0 =	simm.s32 @p2 $0x1  }
0x17: {  	s4 =	simm.s32 $0x1BF5;
	[smem:$0x3FB8] =	sst s0  }
0x18: {  	s0 =	sld [smem:$0x3F9B];
	_ =	swait.ge [sflag:s4], $0x0  }
0x19: {  	s7 =	sld [smem:$0x3F9C]  }
0x1a: {  	s8 =	sadd.s32 $0xFFFFE003, lr  }
0x1b: {  	s9 =	sadd.s32 $0xFFFFFEF7, lr;
	s5 =	simm.s32 $0xFFFFFFFF;
	p2 =	slt.u32 s8, $0xFFFFF086  }
0x1c: {  	p1 =	slt.u32 s9, $0xF7A;
	s5 =	simm.s32 @!p2 $0x0  }
0x1d: {  	s5 =	simm.s32 @p1 $0x1;
	p0 =	seq.s32 s7, s2  }
0x1e: {  	s7 =	smul.u32 @!p0 $0xF7A, s2;
	p2 =	seq.s32 @!p0 s5, $0x0  }
0x1f: {  	s9 =	smul.u32 $0xF7A, s1;
	s8 =	simm.s32 @!p0 $0x1BF5;
	p2 =	por !p2, p0  }
0x20: {  	[sflag:s8] =	ssyncset.s32 @!p0 $0xFFFFF086;
	s6 =	sadd.s32 @!p0 s3, s7;
	s7 =	simm.s32 @!p0 $0x108  }
0x21: {  	s3 =	sadd.s32 s3, s9;
	s6 =	sadd.s32 @!p0 $0x88, s6;
	s7 =	simm.s32 @p2 $0x1082  }
0x22: {  	[simem:s7], [sflag:s8] =	dma.local @!p0 [hbm:s6], $0xF7A  }
0x23: {  	s9 =	sor.u32 $0xD0000000, s2;
	s6 =	simm.s32 $0x108;
	_ =	swait.ge @!p0 [sflag:s8], $0x0  }
0x24: {  	s3 =	sadd.s32 $0x88, s3;
	s6 =	simm.s32 @!p1 $0x1082;
	[sflag:s4] =	ssyncset.s32 $0xFFFFF086  }
0x25: {  	[simem:s6], [sflag:s4] =	dma.local [hbm:s3], $0xF7A  }
0x26: {  	[smem:$0x3F9C] =	sst s1;
	(tag) =	ssettag s2;
	_ =	strace s9  }
0x27: {  	s1 =	sld [smem:$0x3FAC]  }
0x28: {  	s2 =	sld [smem:$0x3FAD]  }
0x29: {  	s4 =	sld [smem:$0x3FAF]  }
0x2a: {  	p0 =	seq.s32 s5, $0x0;
	s5 =	sld [smem:$0x3FB0]  }
0x2b: {  	s6 =	sld [smem:$0x3FB1]  }
0x2c: {  	s7 =	sld [smem:$0x3FB2]  }
0x2d: {  	s3 =	simm.s32 $0x108;
	s8 =	sld [smem:$0x3FB3]  }
0x2e: {  	s3 =	simm.s32 @!p0 $0x1082;
	s9 =	sld [smem:$0x3FB4]  }
0x2f: {  	lr =	sadd.s32 s0, s3;
	s0 =	sld [smem:$0x3FAB]  }
0x30: {  	s3 =	sld [smem:$0x3FAE]  }
0x31: {  	[smem:$0x3FB7] =	sst s10  }
0x32: {  	s10 =	sld [smem:$0x3FB5];
	_ =	sdelay $0x3  }
0x33: {  	p0 =	seq.s32 s10, $0x1;
	s10 =	sld [smem:$0x3FB7];
	_ =	sdelay $0x3  }
0x34: {  	[smem:$0x3FB7] =	sst s10  }
0x35: {  	s10 =	sld [smem:$0x3FB6];
	_ =	sdelay $0x3  }
0x36: {  	p1 =	seq.s32 s10, $0x1;
	s10 =	sld [smem:$0x3FB7];
	_ =	sdelay $0x3  }
0x37: {  	[smem:$0x3FB7] =	sst s10  }
0x38: {  	s10 =	sld [smem:$0x3FB8]  }
0x39: {  	_ = 	snop;
	(pc) =	sbr.ind lr, $3  }
0x3a: {  	_ = 	snop  }
0x3b: {  	_ = 	snop  }
0x3c: {  	p2 =	seq.s32 s10, $0x1;
	s10 =	sld [smem:$0x3FB7]  }
0x3d: {  	_ =	shalt  }
0x3e: {  	_ =	shalt  }
0x3f: {  	_ =	shalt  }
0x40: {  	_ =	shalt  }
0x41: {  	_ =	shalt  }
0x42: {  	_ =	shalt  }
0x43: {  	_ =	shalt  }
0x44: {  	_ =	shalt  }
0x45: {  	_ =	shalt  }
0x46: {  	_ =	shalt  }
0x47: {  	_ =	shalt  }
0x48: {  	_ =	shalt  }
0x49: {  	_ =	shalt  }
0x4a: {  	_ =	shalt  }
0x4b: {  	_ =	shalt  }
0x4c: {  	_ =	shalt  }
0x4d: {  	_ =	shalt  }
0x4e: {  	_ =	shalt  }
0x4f: {  	_ =	shalt  }
0x50: {  	_ =	shalt  }
0x51: {  	_ =	shalt  }
0x52: {  	_ =	shalt  }
0x53: {  	_ =	shalt  }
0x54: {  	_ =	shalt  }
0x55: {  	_ =	shalt  }
0x56: {  	_ =	shalt  }
0x57: {  	_ =	shalt  }
0x58: {  	_ =	shalt  }
0x59: {  	_ =	shalt  }
0x5a: {  	_ =	shalt  }
0x5b: {  	_ =	shalt  }
0x5c: {  	_ =	shalt  }
0x5d: {  	_ =	shalt  }
0x5e: {  	_ =	shalt  }
0x5f: {  	_ =	shalt  }
0x60: {  	_ =	shalt  }
0x61: {  	_ =	shalt  }
0x62: {  	_ =	shalt  }
0x63: {  	_ =	shalt  }
0x64: {  	_ =	shalt  }
0x65: {  	_ =	shalt  }
0x66: {  	_ =	shalt  }
0x67: {  	_ =	shalt  }
0x68: {  	_ =	shalt  }
0x69: {  	_ =	shalt  }
0x6a: {  	_ =	shalt  }
0x6b: {  	_ =	shalt  }
0x6c: {  	_ =	shalt  }
0x6d: {  	_ =	shalt  }
0x6e: {  	_ =	shalt  }
0x6f: {  	_ =	shalt  }
0x70: {  	_ =	shalt  }
0x71: {  	_ =	shalt  }
0x72: {  	_ =	shalt  }
0x73: {  	_ =	shalt  }
0x74: {  	_ =	shalt  }
0x75: {  	_ =	shalt  }
0x76: {  	_ =	shalt  }
0x77: {  	_ =	shalt  }
0x78: {  	_ =	shalt  }
0x79: {  	_ =	shalt  }
0x7a: {  	_ =	shalt  }
0x7b: {  	_ =	shalt  }
0x7c: {  	_ =	shalt  }
0x7d: {  	_ =	shalt  }
0x7e: {  	_ =	shalt  }
0x7f: {  	_ =	shalt  }
0x80: {  	_ =	shalt  }
0x81: {  	_ =	shalt  }
0x82: {  	_ =	shalt  }
0x83: {  	_ =	shalt  }
0x84: {  	_ =	shalt  }
0x85: {  	_ =	shalt  }
0x86: {  	_ =	shalt  }
0x87: {  	_ =	shalt  }
.Lfunc_end0:
.L_simem_size_0:
called_computation_lowered:
.L_overlay_start_0:
0x88: {  	s2 =	sld [smem:$0x3FD9]  }
0x89: {  	s3 =	sld [smem:$0x3FFE];
	_ =	sdelay $0x1  }
0x8a: {  	s1 =	srdreg.scid  }
0x8b: {  	s0 =	sand.u32 $0x1, s1  }
0x8c: {  	s17 =	sshll.u32 s0, $0xA;
	s2 =	sadd.s32 s3, s2  }
0x8d: {  	s2 =	sadd.s32 s2, s17  }
0x8e: {  	[smem:$0x3FC3] =	sst s2  }
0x8f: {  	_ = 	snop  }
0x90: {  	s2 =	sld [smem:$0x3FC7]  }
0x91: {  	s18 =	sld [smem:$0x3FD0];
	(tm) =	ssettm $0x1  }
0x92: {  	s4 =	sld [smem:$0x3FFB];
	_ =	sdelay $0x3  }
0x93: {  	_ =	strace s4  }
0x94: {  	s4 =	sld [smem:$0x3FFC];
	_ =	sdelay $0x3  }
0x95: {  	_ =	strace s4  }
0x96: {  	s4 =	sld [smem:$0x3FFD];
	_ =	sdelay $0x3  }
0x97: {  	_ =	strace s4  }
0x98: {  	_ =	strace $0x8FFFFFFF  }
0x99: {  	s19 =	sld [smem:$0x3FDB];
	_ =	sdelay $0x1  }
0x9a: {  	s5 =	simm.s32 $_scs_section_size  }
0x9b: {  	s6 =	simm.s32 $_size__tile_overlayer_lowered;
	s7 =	simm.s32 $_tile_overlayer_lowered  }
0x9c: {  	s22 =	simm.s32 $0x1BFF;
	s21 =	sshll.u32 s7, $0x1;
	s4 =	sadd.s32 s5, s19  }
0x9d: {  	s8 =	simm.s32 $0x0;
	s20 =	sshll.u32 s6, $0x1;
	s6 =	sadd.s32 s21, s4  }
0x9e: {  	[timem:s8], [sflag:s22] =	dma.local [hbm:s6], s20  }
0x9f: {  	_ =	swait.ge [sflag:s22], s20  }
0xa0: {  	s5 =	ssub.s32 $0x0, s20;
	[sflag:s22] =	ssyncset.done $0x0  }
0xa1: {  	[sflag:s22] =	ssyncadd.s32 s5;
	_ =	sdelay $0x1  }
0xa2: {  	s23 =	simm.s32 $0x1B8B  }
0xa3: {  	_ =	swait.ge [sflag:s23], $0x1  }
0xa4: {  	[sflag:s23] =	ssyncset.done $0x0  }
0xa5: {  	s25 =	simm.s32 $0x1B8E;
	s24 =	sld [smem:$0x3FFE];
	[sflag:s23] =	ssyncadd.s32 $0xFFFFFFFF  }
0xa6: {  	s26 =	simm.s32 $execute0_lowered;
	[smem:$0x3FD2] =	sst s25  }
0xa7: {  	s6 =	sshll.u32 s26, $0x1;
	_ =	strace $0x80000046;
	[dreg:$0x1] =	wrdreg $0xFFFFFFFF  }
0xa8: {  	s28 =	simm.s32 $_size_execute0_lowered;
	s4 =	sadd.s32 s4, s6;
	[dreg:$0x0] =	wrdreg $0x0  }
0xa9: {  	s6 =	sshll.u32 s28, $0x1;
	[dreg:$0x2] =	wrdreg s4  }
0xaa: {  	[dreg:$0x3] =	wrdreg s6  }
0xab: {  	[dreg:$0x4] =	wrdreg $0xC0  }
0xac: {  	_ =	task [dreg:s8], $0x5FFFF  }
0xad: {  	[dreg:$0x1] =	wrdreg $0xFFFFFFFF  }
0xae: {  	[dreg:$0x0] =	wrdreg $0x60  }
0xaf: {  	[dreg:$0x2] =	wrdreg s24  }
0xb0: {  	[dreg:$0x3] =	wrdreg s2  }
0xb1: {  	[dreg:$0x4] =	wrdreg s18  }
0xb2: {  	[dreg:$0x5] =	wrdreg $0x9  }
0xb3: {  	_ =	task.clear_ibuf [dreg:s8], $0x6FFFF;
	_ =	strace $0x90000046  }
0xb4: {  	s29 =	simm.s32 $0x9;
	_ =	strace $0x80000048  }
0xb5: {  	_ =	swait.ge [sflag:s29], $0x1  }
0xb6: {  	[sflag:s29] =	ssyncadd.s32 $0xFFFFFFFF  }
0xb7: {  	_ =	strace $0x90000048  }
0xb8: {  	_ =	sfence  }
0xb9: {  	s30 =	sld [smem:$0x0];
	_ =	sdelay $0x2  }
0xba: {  	s31 =	sshll.u32 s1, $0xD;
	s1 =	sshrl.u32 s1, $0x2  }
0xbb: {  	s3 =	sand.u32 $0x4000, s31;
	s1 =	sadd.s32 s1, s30  }
0xbc: {  	s0 =	sor.u32 s3, s0;
	s1 =	sshll.u32 s1, $0x11  }
0xbd: {  	s0 =	sor.u32 s1, s0  }
0xbe: {  	s0 =	sadd.s32 $0x8F2B, s0  }
0xbf: {  	[sflag:s0] =	ssyncadd.remote.s32 $0x1  }
0xc0: {  	_ =	sfence.sel $0xFFFF  }
0xc1: {  	[dreg:$0x0] =	wrdreg $0xFFFFFFFF;
	(pc) =	sbr.abs _section_cstart, $3  }
0xc2: {  	[dreg:$0x1] =	wrdreg $0xFFFFFFFF  }
0xc3: {  	_ =	task.clear_ibuf [dreg:s8], $0x2FFFF;
	_ =	strace $0x9FFFFFFF  }
0xc4: {  	(tm) =	ssettm $0x7FFFFFFF  }
0xc5: {  	_ =	shalt  }
tec
execute0_lowered:
.L_overlay_start_1:
0x0: {  	(tag) =	ssettag $0x1  }
0x1: {  	s1 =	srdreg.scid;
	s4 =	rddreg [dreg:$0x0]  }
0x2: {  	s0 =	stileid.u32;
	s2 =	rddreg [dreg:$0x1];
	s1 =	sand.u32 $0x1, s1  }
0x3: {  	s6 =	rddreg [dreg:$0x2];
	s3 =	sshll.u32 s0, $0x7;
	s5 =	sshll.u32 s1, $0x6  }
0x4: {  	s14 =	simm.s32 $0x880;
	s5 =	sor.u32 s5, s3;
	s3 =	simm.s32 $0x0  }
0x5: {  	s15 =	simm.s32 $0x1080;
	s16 =	simm.s32 $0x1880;
	[smem:$0x7FF] =	sst s3  }
0x6: {  	s17 =	simm.s32 $0x2080;
	_ =	strace $0x80000047;
	[dreg:$0x6] =	wrdreg s14  }
0x7: {  	s18 =	simm.s32 $0x2880;
	s19 =	simm.s32 $0x3080;
	[dreg:$0x7] =	wrdreg s15  }
0x8: {  	s20 =	simm.s32 $0x3880;
	s21 =	simm.s32 $0x4080;
	[dreg:$0x8] =	wrdreg s16  }
0x9: {  	s23 =	simm.s32 $0x4880;
	s24 =	simm.s32 $0x5080;
	[dreg:$0x9] =	wrdreg s17  }
0xa: {  	s25 =	simm.s32 $0x5880;
	s8 =	simm.s32 $0x6080;
	[dreg:$0xa] =	wrdreg s18  }
0xb: {  	s9 =	simm.s32 $0x6880;
	s26 =	simm.s32 $0x7080;
	[dreg:$0xb] =	wrdreg s19  }
0xc: {  	s10 =	simm.s32 $0x80;
	s12 =	simm.s32 $0x8080;
	[dreg:$0xc] =	wrdreg s20  }
0xd: {  	s13 =	simm.s32 $0x8880;
	s28 =	simm.s32 $0xF880;
	[dreg:$0xd] =	wrdreg s21  }
0xe: {  	s29 =	simm.s32 $0x1;
	s30 =	simm.s32 $0x2;
	[dreg:$0xe] =	wrdreg s23  }
0xf: {  	s31 =	simm.s32 $0x3;
	s1 =	ssub.s32 $0x2, s1;
	[dreg:$0xf] =	wrdreg s24  }
0x10: {  	s22 =	sshrl.u32 s1, $0x1;
	s7 =	sshrl.u32 s5, $0x3;
	[dreg:$0x10] =	wrdreg s25  }
0x11: {  	s5 =	sshll.u32 s5, $0x7;
	s1 =	ssub.s32 s1, s22;
	[dreg:$0x11] =	wrdreg s8  }
0x12: {  	s22 =	simm.s32 $0xD080;
	s4 =	sadd.s32 s7, s4;
	[dreg:$0x12] =	wrdreg s9  }
0x13: {  	s8 =	smax.u32 s1, $0x1;
	s9 =	simm.s32 $0x5;
	[dreg:$0x13] =	wrdreg s26  }
0x14: {  	s14 =	simm.s32 $0x9080;
	s15 =	simm.s32 $0x9880;
	s16 =	simm.s32 $0xA080  }
0x15: {  	s17 =	simm.s32 $0xA880;
	s18 =	simm.s32 $0xB080;
	s19 =	simm.s32 $0xB880  }
0x16: {  	s20 =	simm.s32 $0xC080;
	s21 =	simm.s32 $0xC880;
	s23 =	simm.s32 $0xD880  }
0x17: {  	s24 =	simm.s32 $0xE080;
	s25 =	simm.s32 $0xE880;
	s26 =	simm.s32 $0xF080  }
0x18: {  	v2 =	vlaneseq.u32;
	s1 =	simm.s32 $0x4;
	s7 =	sadd.s32 $0x1E00, s4;
	s4 =	sadd.s32 s6, s5  }
0x19: {  	vm0 =	vmmov $0xffff;
	v1 =	vshrl.u32 v2, $0x3;
	s6 =	sadd.s32 $0x200, s2;
	[dreg:$0x4] =	wrdreg s7;
	s5 =	sadd.s32 $0x1000, s4  }
0x1a: {  	v0 =	vand.u32 $0x7, v2;
	v2 =	vor.u32 $0x8, v2;
	v1 =	vmul.u32 $0x8, v1;
	s7 =	sadd.s32 $0x300, s2;
	[dreg:$0x5] =	wrdreg s5;
	s5 =	sadd.s32 $0x100, s2  }
.LBB2_1:
0x1b: {  	s0 =	rddreg [dreg:$0x4]  }
0x1c: {  	[tilespmem:s3], [sflag:$0x5] =	stream.linear.gather [hbm4b:s0+s3], $0x40, $0x38;
	[tilespmem:$0x10080] =	vst v63  }
0x1d: {  	_ =	swait.ge [sflag:s9], $0x40  }
0x1e: {  	[sflag:s9] =	ssyncset.done $0x0  }
0x1f: {  	[sflag:s9] =	ssyncadd.s32 $0xFFFFFFC0  }
0x20: {  	v3 =	vld [tilespmem:$0x0];
	_ =	sdelay $0x4  }
0x21: {  	v4 =	vshll.u32 v3, $0x3  }
0x22: {  	v3 =	vand.u32 $0x7, v3;
	v4 =	vand.u32 $0xFFFFFFC0, v4  }
0x23: {  	v3 =	vor.u32 v3, v4  }
0x24: {  	v4 =	vperm.xlane v3, v0;
	_ =	sdelay $0x1  }
0x25: {  	v4 =	vadd.s32 v1, v4;
	_ =	sdelay $0x4  }
0x26: {  	[tilespmem:s10], [sflag:$0x1] =	stream.indirect_vreg.gather [hbm4b:s2+s3], $0x80, v4, vm0, $0xb8;
	[tilespmem:$0x10080] =	vst v63  }
0x27: {  	s0 =	rddreg [dreg:$0x6];
	v3 =	vperm.xlane v3, v2  }
0x28: {  	[tilespmem:s0], [sflag:$0x1] =	stream.indirect_vreg.gather [hbm4b:s5+s3], $0x80, v4, vm0, $0xb8;
	[tilespmem:$0x10080] =	vst v63  }
0x29: {  	s11 =	rddreg [dreg:$0x7];
	v3 =	vadd.s32 v1, v3  }
0x2a: {  	[tilespmem:s11], [sflag:$0x1] =	stream.indirect_vreg.gather [hbm4b:s6+s3], $0x80, v4, vm0, $0xb8;
	[tilespmem:$0x10080] =	vst v63  }
0x2b: {  	s0 =	rddreg [dreg:$0x8]  }
0x2c: {  	[tilespmem:s0], [sflag:$0x1] =	stream.indirect_vreg.gather [hbm4b:s7+s3], $0x80, v4, vm0, $0xb8;
	[tilespmem:$0x10080] =	vst v63  }
0x2d: {  	s11 =	rddreg [dreg:$0x9]  }
0x2e: {  	[tilespmem:s11], [sflag:$0x1] =	stream.indirect_vreg.gather [hbm4b:s2+s3], $0x80, v3, vm0, $0xb8;
	[tilespmem:$0x10080] =	vst v63  }
0x2f: {  	s0 =	rddreg [dreg:$0xa]  }
0x30: {  	[tilespmem:s0], [sflag:$0x1] =	stream.indirect_vreg.gather [hbm4b:s5+s3], $0x80, v3, vm0, $0xb8;
	[tilespmem:$0x10080] =	vst v63  }
0x31: {  	s11 =	rddreg [dreg:$0xb]  }
0x32: {  	[tilespmem:s11], [sflag:$0x1] =	stream.indirect_vreg.gather [hbm4b:s6+s3], $0x80, v3, vm0, $0xb8;
	[tilespmem:$0x10080] =	vst v63  }
0x33: {  	s0 =	rddreg [dreg:$0xc]  }
0x34: {  	[tilespmem:s0], [sflag:$0x1] =	stream.indirect_vreg.gather [hbm4b:s7+s3], $0x80, v3, vm0, $0xb8;
	[tilespmem:$0x10080] =	vst v63  }
0x35: {  	v3 =	vld [tilespmem:$0x10];
	_ =	sdelay $0x4  }
0x36: {  	v61 =	vshll.u32 v3, $0x3  }
0x37: {  	v3 =	vand.u32 $0x7, v3;
	v4 =	vand.u32 $0xFFFFFFC0, v61  }
0x38: {  	v3 =	vor.u32 v3, v4  }
0x39: {  	v4 =	vperm.xlane v3, v0;
	_ =	sdelay $0x1  }
0x3a: {  	v4 =	vadd.s32 v1, v4;
	_ =	sdelay $0x3  }
0x3b: {  	s0 =	rddreg [dreg:$0xd]  }
0x3c: {  	[tilespmem:s0], [sflag:$0x1] =	stream.indirect_vreg.gather [hbm4b:s2+s3], $0x80, v4, vm0, $0xb8;
	[tilespmem:$0x10080] =	vst v63  }
0x3d: {  	s11 =	rddreg [dreg:$0xe];
	v3 =	vperm.xlane v3, v2  }
0x3e: {  	[tilespmem:s11], [sflag:$0x1] =	stream.indirect_vreg.gather [hbm4b:s5+s3], $0x80, v4, vm0, $0xb8;
	[tilespmem:$0x10080] =	vst v63  }
0x3f: {  	v3 =	vadd.s32 v1, v3;
	s0 =	rddreg [dreg:$0xf]  }
0x40: {  	[tilespmem:s0], [sflag:$0x1] =	stream.indirect_vreg.gather [hbm4b:s6+s3], $0x80, v4, vm0, $0xb8;
	[tilespmem:$0x10080] =	vst v63  }
0x41: {  	s11 =	rddreg [dreg:$0x10]  }
0x42: {  	[tilespmem:s11], [sflag:$0x1] =	stream.indirect_vreg.gather [hbm4b:s7+s3], $0x80, v4, vm0, $0xb8;
	[tilespmem:$0x10080] =	vst v63  }
0x43: {  	s0 =	rddreg [dreg:$0x11]  }
0x44: {  	[tilespmem:s0], [sflag:$0x1] =	stream.indirect_vreg.gather [hbm4b:s2+s3], $0x80, v3, vm0, $0xb8;
	[tilespmem:$0x10080] =	vst v63  }
0x45: {  	s11 =	rddreg [dreg:$0x12]  }
0x46: {  	[tilespmem:s11], [sflag:$0x1] =	stream.indirect_vreg.gather [hbm4b:s5+s3], $0x80, v3, vm0, $0xb8;
	[tilespmem:$0x10080] =	vst v63  }
0x47: {  	s0 =	rddreg [dreg:$0x13]  }
0x48: {  	[tilespmem:s0], [sflag:$0x1] =	stream.indirect_vreg.gather [hbm4b:s6+s3], $0x80, v3, vm0, $0xb8;
	[tilespmem:$0x10080] =	vst v63  }
0x49: {  	s11 =	simm.s32 $0x7880  }
0x4a: {  	[tilespmem:s11], [sflag:$0x1] =	stream.indirect_vreg.gather [hbm4b:s7+s3], $0x80, v3, vm0, $0xb8;
	[tilespmem:$0x10080] =	vst v63  }
0x4b: {  	v3 =	vld [tilespmem:$0x20];
	_ =	sdelay $0x4  }
0x4c: {  	v62 =	vshll.u32 v3, $0x3  }
0x4d: {  	v3 =	vand.u32 $0x7, v3;
	v4 =	vand.u32 $0xFFFFFFC0, v62  }
0x4e: {  	v3 =	vor.u32 v3, v4  }
0x4f: {  	v4 =	vperm.xlane v3, v0;
	_ =	sdelay $0x1  }
0x50: {  	v4 =	vadd.s32 v1, v4;
	_ =	sdelay $0x4  }
0x51: {  	[tilespmem:s12], [sflag:$0x2] =	stream.indirect_vreg.gather [hbm4b:s2+s3], $0x80, v4, vm0, $0xb8;
	[tilespmem:$0x10080] =	vst v63  }
0x52: {  	v3 =	vperm.xlane v3, v2  }
0x53: {  	[tilespmem:s13], [sflag:$0x2] =	stream.indirect_vreg.gather [hbm4b:s5+s3], $0x80, v4, vm0, $0xb8;
	[tilespmem:$0x10080] =	vst v63  }
0x54: {  	v3 =	vadd.s32 v1, v3  }
0x55: {  	[tilespmem:s14], [sflag:$0x2] =	stream.indirect_vreg.gather [hbm4b:s6+s3], $0x80, v4, vm0, $0xb8;
	[tilespmem:$0x10080] =	vst v63  }
0x56: {  	_ = 	snop  }
0x57: {  	[tilespmem:s15], [sflag:$0x2] =	stream.indirect_vreg.gather [hbm4b:s7+s3], $0x80, v4, vm0, $0xb8;
	[tilespmem:$0x10080] =	vst v63  }
0x58: {  	_ = 	snop  }
0x59: {  	[tilespmem:s16], [sflag:$0x2] =	stream.indirect_vreg.gather [hbm4b:s2+s3], $0x80, v3, vm0, $0xb8;
	[tilespmem:$0x10080] =	vst v63  }
0x5a: {  	_ = 	snop  }
0x5b: {  	[tilespmem:s17], [sflag:$0x2] =	stream.indirect_vreg.gather [hbm4b:s5+s3], $0x80, v3, vm0, $0xb8;
	[tilespmem:$0x10080] =	vst v63  }
0x5c: {  	_ = 	snop  }
0x5d: {  	[tilespmem:s18], [sflag:$0x2] =	stream.indirect_vreg.gather [hbm4b:s6+s3], $0x80, v3, vm0, $0xb8;
	[tilespmem:$0x10080] =	vst v63  }
0x5e: {  	_ = 	snop  }
0x5f: {  	[tilespmem:s19], [sflag:$0x2] =	stream.indirect_vreg.gather [hbm4b:s7+s3], $0x80, v3, vm0, $0xb8;
	[tilespmem:$0x10080] =	vst v63  }
0x60: {  	v3 =	vld [tilespmem:$0x30];
	_ =	sdelay $0x4  }
0x61: {  	v63 =	vshll.u32 v3, $0x3  }
0x62: {  	v3 =	vand.u32 $0x7, v3;
	v4 =	vand.u32 $0xFFFFFFC0, v63  }
0x63: {  	v3 =	vor.u32 v3, v4  }
0x64: {  	v4 =	vperm.xlane v3, v0;
	_ =	sdelay $0x1  }
0x65: {  	v4 =	vadd.s32 v1, v4;
	_ =	sdelay $0x4  }
0x66: {  	[tilespmem:s20], [sflag:$0x2] =	stream.indirect_vreg.gather [hbm4b:s2+s3], $0x80, v4, vm0, $0xb8;
	[tilespmem:$0x10080] =	vst v63  }
0x67: {  	v3 =	vperm.xlane v3, v2  }
0x68: {  	[tilespmem:s21], [sflag:$0x2] =	stream.indirect_vreg.gather [hbm4b:s5+s3], $0x80, v4, vm0, $0xb8;
	[tilespmem:$0x10080] =	vst v63  }
0x69: {  	v3 =	vadd.s32 v1, v3  }
0x6a: {  	[tilespmem:s22], [sflag:$0x2] =	stream.indirect_vreg.gather [hbm4b:s6+s3], $0x80, v4, vm0, $0xb8;
	[tilespmem:$0x10080] =	vst v63  }
0x6b: {  	_ = 	snop  }
0x6c: {  	[tilespmem:s23], [sflag:$0x2] =	stream.indirect_vreg.gather [hbm4b:s7+s3], $0x80, v4, vm0, $0xb8;
	[tilespmem:$0x10080] =	vst v63  }
0x6d: {  	_ = 	snop  }
0x6e: {  	[tilespmem:s24], [sflag:$0x2] =	stream.indirect_vreg.gather [hbm4b:s2+s3], $0x80, v3, vm0, $0xb8;
	[tilespmem:$0x10080] =	vst v63  }
0x6f: {  	_ = 	snop  }
0x70: {  	[tilespmem:s25], [sflag:$0x2] =	stream.indirect_vreg.gather [hbm4b:s5+s3], $0x80, v3, vm0, $0xb8;
	[tilespmem:$0x10080] =	vst v63  }
0x71: {  	_ = 	snop  }
0x72: {  	[tilespmem:s26], [sflag:$0x2] =	stream.indirect_vreg.gather [hbm4b:s6+s3], $0x80, v3, vm0, $0xb8;
	[tilespmem:$0x10080] =	vst v63  }
0x73: {  	_ = 	snop  }
0x74: {  	[tilespmem:s28], [sflag:$0x2] =	stream.indirect_vreg.gather [hbm4b:s7+s3], $0x80, v3, vm0, $0xb8;
	[tilespmem:$0x10080] =	vst v63  }
0x75: {  	_ =	swait.ge [sflag:s29], $0x8000  }
0x76: {  	[sflag:s29] =	ssyncset.done $0x0  }
0x77: {  	[sflag:s29] =	ssyncadd.s32 $0xFFFF8000  }
0x78: {  	[hbm4b:s4+s3] =	stream.linear.scatter [tilespmem:s10], [sflag:$0x3], $0x8000, $0x38;
	[tilespmem:$0x10080] =	vst v63  }
0x79: {  	_ =	swait.ge [sflag:s30], $0x8000  }
0x7a: {  	[sflag:s30] =	ssyncset.done $0x0  }
0x7b: {  	s11 =	rddreg [dreg:$0x5];
	[sflag:s30] =	ssyncadd.s32 $0xFFFF8000  }
0x7c: {  	[hbm4b:s11+s3] =	stream.linear.scatter [tilespmem:s12], [sflag:$0x4], $0x8000, $0x38;
	[tilespmem:$0x10080] =	vst v63  }
0x7d: {  	p0 =	sne.s32 s8, $0x1;
	_ =	swait.ge [sflag:s31], $0x8000  }
.Ltmp0:
0x7e: {  	[sflag:s31] =	ssyncset.done $0x0;
	(pc) =	sbr.rel @p0 .LBB2_1-.Ltmp0, $4  }
0x7f: {  	[sflag:s31] =	ssyncadd.s32 $0xFFFF8000  }
0x80: {  	_ =	swait.ge [sflag:s1], $0x8000  }
0x81: {  	[sflag:s1] =	ssyncset.done $0x0  }
0x82: {  	s8 =	sadd.s32 $0xFFFFFFFF, s8;
	[sflag:s1] =	ssyncadd.s32 $0xFFFF8000  }
0x83: {  	_ =	sfence.sel $0x180000  }
0x84: {  	[bflag:$0x0] =	sbarrier.arrive $0xFFFF  }
0x85: {  	_ =	strace $0x90000047  }
0x86: {  	s0 =	stileid.u32;
	[bflag:$0x2] =	sbarrier.arrive $0xFFFF  }
0x87: {  	p0 =	sne.s32 s0, $0x0;
	s0 =	rddreg [dreg:$0x3]  }
0x88: {  	s0 =	sadd.s32 @!p0 $0x100000, s0  }
0x89: {  	[sflag:s0] =	ssyncadd.tile.s32 @!p0 $0x1;
	_ =	shalt  }
.Lfunc_end2:
_tile_overlayer_lowered:
.L_overlay_start_2:
0x8a: {  	(tag) =	ssettag $0x2  }
0x8b: {  	s0 =	rddreg [dreg:$0x0];
	s2 =	stileid.u32  }
0x8c: {  	s1 =	rddreg [dreg:$0x1];
	p0 =	sne.s32 s2, $0x0  }
0x8d: {  	s3 =	rddreg [dreg:$0x2];
	[bflag:$0x3] =	sbarrier.arrive $0xFFFF;
	s2 =	simm.s32 @!p0 $0x1C05  }
0x8e: {  	[timem:s3], [sflag:s2] =	dma.local @!p0 [hbm:s0], s1  }
0x8f: {  	s0 =	simm.s32 @!p0 $0x5  }
0x90: {  	_ =	swait.ge @!p0 [sflag:s0], s1  }
0x91: {  	s1 =	ssub.s32 @!p0 $0x0, s1;
	[sflag:s0] =	ssyncset.done @!p0 $0x0  }
0x92: {  	[sflag:s0] =	ssyncadd.s32 @!p0 s1  }
0x93: {  	[bflag:$0x3] =	sbarrier.arrive $0xFFFF  }
0x94: {  	_ =	shalt  }

</sc_bundles>
